<compile_context>
chip_gen: v7x
topology: tpu7x:2x2x1
jax: 0.10.2.dev20260603
libtpu: 0.0.44.dev20260713+nightly
codegen_flags: <defaults>
</compile_context>

<pallas_src>
import functools

import jax
import jax.numpy as jnp
from jax import lax
from jax.experimental import pallas as pl
from jax.experimental.pallas import tpu as pltpu
from jax.experimental.pallas import tpu_sc as plsc

N_NODES = 10000
N_EDGES = 320000
D_FEAT = 128
HIDDEN = 64
N_OUT = 10
D2 = 16

NC, NS, L = 2, 16, 16
NW = NC * NS
EPW = N_EDGES // NW
K = 125
NCH = EPW // K
N_PAD = 10240
RPT = N_PAD // NS
WOUT = 128
NBUF = 4

_MESH = plsc.VectorSubcoreMesh(
    core_axis_name="c", subcore_axis_name="s", num_cores=NC, num_subcores=NS
)
_SC_PARAMS = pltpu.CompilerParams(use_tc_tiling_on_sc=False)


def _zero_vmem(ref, rows, cols):
    zero = jnp.zeros((L,), jnp.float32)

    @pl.loop(0, rows)
    def _(i):
        for j in range(cols // L):
            ref[i, pl.ds(j * L, L)] = zero


@functools.partial(
    pl.kernel,
    out_type=jax.ShapeDtypeStruct((N_PAD, WOUT), jnp.float32),
    mesh=_MESH,
    compiler_params=_SC_PARAMS,
    scratch_types=[
        pltpu.VMEM((NCH, K), jnp.int32),
        pltpu.VMEM((K, D2), jnp.float32),
        pltpu.VMEM((RPT, D2), jnp.float32),
        pltpu.VMEM_SHARED((N_PAD, D2), jnp.float32),
    ],
)
def _deg_kernel(dst_hbm, out_hbm, dst_v, ones_v, stage_v, acc):
    cid = lax.axis_index("c")
    sid = lax.axis_index("s")
    wid = cid * NS + sid
    _zero_vmem(stage_v, RPT, D2)
    pltpu.sync_copy(stage_v, acc.at[pl.ds(sid * RPT, RPT)])

    one = jnp.ones((L,), jnp.float32)

    @pl.loop(0, K)
    def _(i):
        ones_v[i, :] = one

    pltpu.sync_copy(dst_hbm.at[wid], dst_v)
    plsc.subcore_barrier()

    @pl.loop(0, NCH)
    def _(j):
        pltpu.sync_copy(ones_v, acc.at[dst_v.at[j]], add=True)

    plsc.subcore_barrier()
    pltpu.sync_copy(acc.at[pl.ds(sid * RPT, RPT)], stage_v)
    pltpu.sync_copy(
        stage_v, out_hbm.at[pl.ds(sid * RPT, RPT), pl.ds(cid * HIDDEN, D2)]
    )


def _make_agg(D, nbuf):
    @functools.partial(
        pl.kernel,
        out_type=jax.ShapeDtypeStruct((N_PAD, WOUT), jnp.float32),
        mesh=_MESH,
        compiler_params=_SC_PARAMS,
        scratch_types=[
            pltpu.VMEM((NCH, K), jnp.int32),
            pltpu.VMEM((NCH, K), jnp.int32),
            pltpu.VMEM((nbuf, K, D), jnp.float32),
            pltpu.VMEM((RPT, D), jnp.float32),
            pltpu.VMEM_SHARED((N_PAD, D), jnp.float32),
            pltpu.SemaphoreType.DMA((nbuf,)),
            pltpu.SemaphoreType.DMA((nbuf,)),
        ],
    )
    def agg(
        g_hbm, src_hbm, dst_hbm, out_hbm, src_v, dst_v, rows_v, stage_v, acc,
        gsems, ssems,
    ):
        cid = lax.axis_index("c")
        sid = lax.axis_index("s")
        wid = cid * NS + sid
        _zero_vmem(stage_v, RPT, D)
        pltpu.sync_copy(stage_v, acc.at[pl.ds(sid * RPT, RPT)])
        pltpu.sync_copy(src_hbm.at[wid], src_v)
        pltpu.sync_copy(dst_hbm.at[wid], dst_v)
        plsc.subcore_barrier()

        if nbuf == 2:
            for b in range(2):
                pltpu.async_copy(g_hbm.at[src_v.at[b]], rows_v.at[b], gsems.at[b])

            @pl.loop(0, NCH, step=2)
            def _(j):
                for b in range(2):
                    jj = j + b
                    pltpu.make_async_copy(
                        g_hbm.at[src_v.at[jj]], rows_v.at[b], gsems.at[b]
                    ).wait()
                    pltpu.sync_copy(rows_v.at[b], acc.at[dst_v.at[jj]], add=True)

                    @pl.when(jj + 2 < NCH)
                    def _():
                        pltpu.async_copy(
                            g_hbm.at[src_v.at[jj + 2]], rows_v.at[b], gsems.at[b]
                        )
        else:
            for b in range(2):
                pltpu.async_copy(g_hbm.at[src_v.at[b]], rows_v.at[b], gsems.at[b])

            @pl.loop(0, NCH, step=4)
            def _(j):
                for b in range(4):
                    jj = j + b
                    bn = (b + 2) % 4
                    pltpu.make_async_copy(
                        g_hbm.at[src_v.at[jj]], rows_v.at[b], gsems.at[b]
                    ).wait()

                    @pl.when(jj >= 2)
                    def _():
                        pltpu.make_async_copy(
                            rows_v.at[bn], acc.at[dst_v.at[jj]], ssems.at[bn]
                        ).wait()

                    @pl.when(jj + 2 < NCH)
                    def _():
                        pltpu.async_copy(
                            g_hbm.at[src_v.at[jj + 2]], rows_v.at[bn], gsems.at[bn]
                        )

                    pltpu.async_copy(
                        rows_v.at[b], acc.at[dst_v.at[jj]], ssems.at[b], add=True
                    )

            for jj in (NCH - 2, NCH - 1):
                b = jj % 4
                pltpu.make_async_copy(
                    rows_v.at[b], acc.at[dst_v.at[jj]], ssems.at[b]
                ).wait()

        plsc.subcore_barrier()
        pltpu.sync_copy(acc.at[pl.ds(sid * RPT, RPT)], stage_v)
        pltpu.sync_copy(
            stage_v, out_hbm.at[pl.ds(sid * RPT, RPT), pl.ds(cid * HIDDEN, D)]
        )

    return agg


_agg64 = _make_agg(HIDDEN, 2)
_agg16 = _make_agg(D2, 4)


ROWS = 5000
GRID = N_NODES // ROWS


def _dinv(d_ref):
    deg = d_ref[:, 0:1] + d_ref[:, HIDDEN : HIDDEN + 1] + 1.0
    return lax.rsqrt(deg)


def _tc1_body(x_ref, w_ref, d_ref, o_ref):
    o_ref[...] = (x_ref[...] @ w_ref[...]) * _dinv(d_ref)


def _tc2_body(s_ref, g1_ref, d_ref, w_ref, b_ref, o_ref):
    dinv = _dinv(d_ref)
    s = s_ref[:, :HIDDEN] + s_ref[:, HIDDEN:]
    z = (s + g1_ref[...]) * dinv + b_ref[...]
    z = jnp.maximum(z, 0.0)
    o_ref[...] = (z @ w_ref[...]) * dinv


def _tc3_body(t_ref, g2_ref, d_ref, b_ref, o_ref):
    dinv = _dinv(d_ref)
    t = t_ref[:, :D2] + t_ref[:, HIDDEN : HIDDEN + D2]
    v = (t + g2_ref[...]) * dinv + b_ref[...]
    col = lax.broadcasted_iota(jnp.int32, v.shape, 1)
    vm = jnp.where(col < N_OUT, v, -jnp.inf)
    m = jnp.max(vm, axis=1, keepdims=True)
    lse = jnp.log(jnp.sum(jnp.exp(vm - m), axis=1, keepdims=True))
    o_ref[...] = (v - m - lse)[:, :N_OUT]


def _row_spec(d):
    return pl.BlockSpec((ROWS, d), lambda i: (i, 0))


def _full_spec(r, c):
    return pl.BlockSpec((r, c), lambda i: (0, 0))


_tc1 = pl.pallas_call(
    _tc1_body,
    grid=(GRID,),
    in_specs=[
        _row_spec(D_FEAT),
        _full_spec(D_FEAT, HIDDEN),
        _row_spec(WOUT),
    ],
    out_specs=_row_spec(HIDDEN),
    out_shape=jax.ShapeDtypeStruct((N_NODES, HIDDEN), jnp.float32),
)

_tc2 = pl.pallas_call(
    _tc2_body,
    grid=(GRID,),
    in_specs=[
        _row_spec(WOUT),
        _row_spec(HIDDEN),
        _row_spec(WOUT),
        _full_spec(HIDDEN, D2),
        _full_spec(1, HIDDEN),
    ],
    out_specs=_row_spec(D2),
    out_shape=jax.ShapeDtypeStruct((N_NODES, D2), jnp.float32),
)

_tc3 = pl.pallas_call(
    _tc3_body,
    grid=(GRID,),
    in_specs=[
        _row_spec(WOUT),
        _row_spec(D2),
        _row_spec(WOUT),
        _full_spec(1, D2),
    ],
    out_specs=_row_spec(N_OUT),
    out_shape=jax.ShapeDtypeStruct((N_NODES, N_OUT), jnp.float32),
)


def kernel(x, edge_index, W1, b1, W2, b2):
    ei = edge_index.astype(jnp.int32)
    src = ei[0].reshape(NW, NCH, K)
    dst = ei[1].reshape(NW, NCH, K)
    w2p = jnp.pad(W2, ((0, 0), (0, D2 - N_OUT)))
    b1r = b1.reshape(1, HIDDEN)
    b2p = jnp.pad(b2, (0, D2 - N_OUT)).reshape(1, D2)

    degp = _deg_kernel(dst)
    g1 = _tc1(x, W1, degp)
    s = _agg64(g1, src, dst)
    g2 = _tc2(s, g1, degp, w2p, b1r)
    t = _agg16(g2, src, dst)
    return _tc3(t, g2, degp, b2p)

# --- scband reference (transcript-rebuilt; emitter-appended) ---
"""Pipeline reference for scband-gnn-31241592111180 (READ-ONLY COPY).

The authoritative reference and input builder live on the scoring server;
editing this copy changes nothing except your own understanding.
"""

import jax, jax.numpy as jnp
import numpy as np

N_NODES = 10000
N_EDGES = 320000
D_FEAT = 128
HIDDEN = 64
N_OUT = 10  # num_classes + 1


def setup_inputs(seed: int = 0) -> dict:
    key = jax.random.key(seed)
    k1, k2, k3, k4, k5, k6 = jax.random.split(key, 6)
    x = jax.random.normal(k1, (N_NODES, D_FEAT), dtype=jnp.float32)
    edge_index = jax.random.randint(k2, (2, N_EDGES), 0, N_NODES, dtype=jnp.int64)
    # GCNConv parameters (glorot-style scaling)
    W1 = jax.random.normal(k3, (D_FEAT, HIDDEN), dtype=jnp.float32) * (1.0 / np.sqrt(D_FEAT))
    b1 = jnp.zeros((HIDDEN,), dtype=jnp.float32)
    W2 = jax.random.normal(k4, (HIDDEN, N_OUT), dtype=jnp.float32) * (1.0 / np.sqrt(HIDDEN))
    b2 = jnp.zeros((N_OUT,), dtype=jnp.float32)
    return {"x": x, "edge_index": edge_index, "W1": W1, "b1": b1, "W2": W2, "b2": b2}


def gcn_conv(x, edge_index, W, b, num_nodes):
    # x' = x @ W
    h = x @ W
    # add self-loops
    loop = jnp.arange(num_nodes, dtype=edge_index.dtype)
    src = jnp.concatenate([edge_index[0], loop])
    dst = jnp.concatenate([edge_index[1], loop])
    # symmetric normalization: deg^{-1/2}[src] * deg^{-1/2}[dst]
    ones = jnp.ones(src.shape[0], dtype=h.dtype)
    deg = jnp.zeros((num_nodes,), dtype=h.dtype).at[dst].add(ones)
    dinv = jnp.where(deg > 0, jax.lax.rsqrt(deg), 0.0)
    norm = dinv[src] * dinv[dst]
    # gather messages from src, scale, scatter-add to dst
    msgs = norm[:, None] * jnp.take(h, src, axis=0)
    out = jnp.zeros((num_nodes, h.shape[1]), dtype=h.dtype).at[dst].add(msgs)
    return out + b


def reference(x, edge_index, W1, b1, W2, b2):
    num_nodes = x.shape[0]
    h = gcn_conv(x, edge_index, W1, b1, num_nodes)
    h = jax.nn.relu(h)
    # dropout is identity in eval mode (deterministic reference)
    out = gcn_conv(h, edge_index, W2, b2, num_nodes)
    return jax.nn.log_softmax(out, axis=1)

if __name__ == "__main__":
    import jax
    _d = setup_inputs()
    print(jax.jit(kernel)(*tuple(_d.values())))

</pallas_src>

<mosaic_0001>
#map = affine_map<(d0, d1) -> (0, 0, 0)>
#map1 = affine_map<(d0, d1) -> (0, 0)>
module attributes {stable_mosaic.version = 14 : i64} {
  func.func @_deg_kernel(%arg0: i32, %arg1: i32, %arg2: memref<32x80x125xi32, #tpu.memory_space<hbm>>, %arg3: memref<10240x128xf32, #tpu.memory_space<hbm>>, %arg4: memref<80x125xi32, #tpu.memory_space<vmem>>, %arg5: memref<125x16xf32, #tpu.memory_space<vmem>>, %arg6: memref<640x16xf32, #tpu.memory_space<vmem>>, %arg7: memref<10240x16xf32, #tpu.memory_space<vmem_shared>>) attributes {dimension_semantics = [#tpu.dimension_semantics<core_parallel>, #tpu.dimension_semantics<subcore_parallel>], iteration_bounds = array<i64: 2, 16>, scalar_prefetch = 0 : i64, scratch_operands = 4 : i64, tpu.core_type = #tpu.core_type<sc_vector_subcore>, window_params = [{transform_indices = #map}, {transform_indices = #map1}]} {
    %mul3A = arith.constant 16 : i32
    %mul3A_0 = arith.muli %arg0, %mul3A : i32
    %add3A = arith.addi %mul3A_0, %arg1 : i32
    %broadcast_in_dim3A = arith.constant 0.000000e+00 : f32
    %broadcast_in_dim3A_1 = vector.broadcast %broadcast_in_dim3A : f32 to vector<16xf32>
    %scan3A = arith.constant 0 : i32
    %scan3A_2 = arith.constant 640 : i32
    %scan3A_3 = arith.addi %scan3A, %scan3A_2 : i32
    %scan3A_4 = arith.constant 1 : i32
    scf.for %scan3A_27 = %scan3A to %scan3A_3 step %scan3A_4  : i32 {
      %mul3A_28 = arith.constant 1 : i32
      %mul3A_29 = arith.muli %scan3A_27, %mul3A_28 : i32
      %add3A_30 = arith.constant 0 : i32
      %add3A_31 = arith.addi %add3A_30, %mul3A_29 : i32
      %swap3A = arith.index_cast %add3A_31 : i32 to index
      %swap3A_32 = arith.constant 0 : index
      %swap3A_33 = tpu.vector_load %arg6[%swap3A, %swap3A_32] {strides = array<i32>} : memref<640x16xf32, #tpu.memory_space<vmem>>, vector<1x16xf32>,
      %swap3A_34 = vector.shape_cast %swap3A_33 : vector<1x16xf32> to vector<16xf32>
      %swap3A_35 = vector.shape_cast %broadcast_in_dim3A_1 : vector<16xf32> to vector<1x16xf32>
      tpu.vector_store %arg6[%swap3A, %swap3A_32], %swap3A_35 {strides = array<i32>} : memref<640x16xf32, #tpu.memory_space<vmem>>, vector<1x16xf32>,
    }
    %scan3A_5 = arith.constant 640 : i32
    %mul3A_6 = arith.constant 640 : i32
    %mul3A_7 = arith.muli %arg1, %mul3A_6 : i32
    "tpu.region"() ({
      %run_scoped3A = tpu.sem_alloc : memref<!tpu.dma_semaphore, #tpu.memory_space<semaphore_mem>>
      %dma_start3A = arith.constant 0 : i32
      %dma_start3A_27 = tpu.memref_slice %arg7[%mul3A_7, %dma_start3A] : memref<10240x16xf32, #tpu.memory_space<vmem_shared>> -> memref<640x16xf32, #tpu.memory_space<vmem_shared>>
      %dma_start3A_28 = arith.constant 0 : i32
      %dma_start3A_29 = tpu.memref_slice %arg7[%mul3A_7, %dma_start3A_28] : memref<10240x16xf32, #tpu.memory_space<vmem_shared>> -> memref<640x16xf32, #tpu.memory_space<vmem_shared>>
      tpu.enqueue_dma source(%arg6 : memref<640x16xf32, #tpu.memory_space<vmem>>) target(%dma_start3A_29 : memref<640x16xf32, #tpu.memory_space<vmem_shared>>) target_semaphore(%run_scoped3A : memref<!tpu.dma_semaphore, #tpu.memory_space<semaphore_mem>>)
      %dma_wait3A = arith.constant 0 : i32
      %dma_wait3A_30 = tpu.memref_slice %arg7[%mul3A_7, %dma_wait3A] : memref<10240x16xf32, #tpu.memory_space<vmem_shared>> -> memref<640x16xf32, #tpu.memory_space<vmem_shared>>
      %dma_wait3A_31 = arith.constant 0 : i32
      %dma_wait3A_32 = tpu.memref_slice %arg7[%mul3A_7, %dma_wait3A_31] : memref<10240x16xf32, #tpu.memory_space<vmem_shared>> -> memref<640x16xf32, #tpu.memory_space<vmem_shared>>
      tpu.wait_dma2 semaphore(%run_scoped3A : memref<!tpu.dma_semaphore, #tpu.memory_space<semaphore_mem>>) src(%arg6 : memref<640x16xf32, #tpu.memory_space<vmem>>) dst(%dma_wait3A_32 : memref<640x16xf32, #tpu.memory_space<vmem_shared>>)
      tpu.yield
    }) : () -> ()
    %broadcast_in_dim3A_8 = arith.constant 1.000000e+00 : f32
    %broadcast_in_dim3A_9 = vector.broadcast %broadcast_in_dim3A_8 : f32 to vector<16xf32>
    %scan3A_10 = arith.constant 0 : i32
    %scan3A_11 = arith.constant 125 : i32
    %scan3A_12 = arith.addi %scan3A_10, %scan3A_11 : i32
    %scan3A_13 = arith.constant 1 : i32
    scf.for %scan3A_27 = %scan3A_10 to %scan3A_12 step %scan3A_13  : i32 {
      %mul3A_28 = arith.constant 1 : i32
      %mul3A_29 = arith.muli %scan3A_27, %mul3A_28 : i32
      %add3A_30 = arith.constant 0 : i32
      %add3A_31 = arith.addi %add3A_30, %mul3A_29 : i32
      %swap3A = arith.index_cast %add3A_31 : i32 to index
      %swap3A_32 = arith.constant 0 : index
      %swap3A_33 = tpu.vector_load %arg5[%swap3A, %swap3A_32] {strides = array<i32>} : memref<125x16xf32, #tpu.memory_space<vmem>>, vector<1x16xf32>,
      %swap3A_34 = vector.shape_cast %swap3A_33 : vector<1x16xf32> to vector<16xf32>
      %swap3A_35 = vector.shape_cast %broadcast_in_dim3A_9 : vector<16xf32> to vector<1x16xf32>
      tpu.vector_store %arg5[%swap3A, %swap3A_32], %swap3A_35 {strides = array<i32>} : memref<125x16xf32, #tpu.memory_space<vmem>>, vector<1x16xf32>,
    }
    %scan3A_14 = arith.constant 125 : i32
    "tpu.region"() ({
      %run_scoped3A = tpu.sem_alloc : memref<!tpu.dma_semaphore, #tpu.memory_space<semaphore_mem>>
      %dma_start3A = arith.constant 0 : i32
      %dma_start3A_27 = arith.constant 0 : i32
      %dma_start3A_28 = tpu.memref_slice %arg2[%add3A, %dma_start3A, %dma_start3A_27] : memref<32x80x125xi32, #tpu.memory_space<hbm>> -> memref<1x80x125xi32, #tpu.memory_space<hbm>>
      %dma_start3A_29 = tpu.memref_squeeze %dma_start3A_28 : memref<1x80x125xi32, #tpu.memory_space<hbm>> -> memref<80x125xi32, #tpu.memory_space<hbm>>
      %dma_start3A_30 = arith.constant 0 : i32
      %dma_start3A_31 = arith.constant 0 : i32
      %dma_start3A_32 = tpu.memref_slice %arg2[%add3A, %dma_start3A_30, %dma_start3A_31] : memref<32x80x125xi32, #tpu.memory_space<hbm>> -> memref<1x80x125xi32, #tpu.memory_space<hbm>>
      %dma_start3A_33 = tpu.memref_squeeze %dma_start3A_32 : memref<1x80x125xi32, #tpu.memory_space<hbm>> -> memref<80x125xi32, #tpu.memory_space<hbm>>
      tpu.enqueue_dma source(%dma_start3A_33 : memref<80x125xi32, #tpu.memory_space<hbm>>) target(%arg4 : memref<80x125xi32, #tpu.memory_space<vmem>>) target_semaphore(%run_scoped3A : memref<!tpu.dma_semaphore, #tpu.memory_space<semaphore_mem>>)
      %dma_wait3A = arith.constant 0 : i32
      %dma_wait3A_34 = arith.constant 0 : i32
      %dma_wait3A_35 = tpu.memref_slice %arg2[%add3A, %dma_wait3A, %dma_wait3A_34] : memref<32x80x125xi32, #tpu.memory_space<hbm>> -> memref<1x80x125xi32, #tpu.memory_space<hbm>>
      %dma_wait3A_36 = tpu.memref_squeeze %dma_wait3A_35 : memref<1x80x125xi32, #tpu.memory_space<hbm>> -> memref<80x125xi32, #tpu.memory_space<hbm>>
      %dma_wait3A_37 = arith.constant 0 : i32
      %dma_wait3A_38 = arith.constant 0 : i32
      %dma_wait3A_39 = tpu.memref_slice %arg2[%add3A, %dma_wait3A_37, %dma_wait3A_38] : memref<32x80x125xi32, #tpu.memory_space<hbm>> -> memref<1x80x125xi32, #tpu.memory_space<hbm>>
      %dma_wait3A_40 = tpu.memref_squeeze %dma_wait3A_39 : memref<1x80x125xi32, #tpu.memory_space<hbm>> -> memref<80x125xi32, #tpu.memory_space<hbm>>
      tpu.wait_dma2 semaphore(%run_scoped3A : memref<!tpu.dma_semaphore, #tpu.memory_space<semaphore_mem>>) src(%dma_wait3A_40 : memref<80x125xi32, #tpu.memory_space<hbm>>) dst(%arg4 : memref<80x125xi32, #tpu.memory_space<vmem>>)
      tpu.yield
    }) : () -> ()
    %barrier3A = arith.constant 0 : index
    tpu.barrier barrier_id(%barrier3A)
    %scan3A_15 = arith.constant 0 : i32
    %scan3A_16 = arith.constant 80 : i32
    %scan3A_17 = arith.addi %scan3A_15, %scan3A_16 : i32
    %scan3A_18 = arith.constant 1 : i32
    scf.for %scan3A_27 = %scan3A_15 to %scan3A_17 step %scan3A_18  : i32 {
      %mul3A_28 = arith.constant 1 : i32
      %mul3A_29 = arith.muli %scan3A_27, %mul3A_28 : i32
      %add3A_30 = arith.constant 0 : i32
      %add3A_31 = arith.addi %add3A_30, %mul3A_29 : i32
      "tpu.region"() ({
        %run_scoped3A = tpu.sem_alloc : memref<!tpu.dma_semaphore, #tpu.memory_space<semaphore_mem>>
        %dma_start3A = arith.constant 0 : i32
        %dma_start3A_32 = tpu.memref_slice %arg4[%add3A_31, %dma_start3A] : memref<80x125xi32, #tpu.memory_space<vmem>> -> memref<1x125xi32, #tpu.memory_space<vmem>>
        %dma_start3A_33 = tpu.memref_squeeze %dma_start3A_32 : memref<1x125xi32, #tpu.memory_space<vmem>> -> memref<125xi32, #tpu.memory_space<vmem>>
        %dma_start3A_34 = arith.constant 0 : i32
        %dma_start3A_35 = arith.constant 0 : i32
        %dma_start3A_36 = tpu.memref_slice %arg7[%dma_start3A_34, %dma_start3A_35] : memref<10240x16xf32, #tpu.memory_space<vmem_shared>> -> memref<10240x16xf32, #tpu.memory_space<vmem_shared>>
        tpu.enqueue_indirect_dma source(%arg5 : memref<125x16xf32, #tpu.memory_space<vmem>>) target(%dma_start3A_36 : memref<10240x16xf32, #tpu.memory_space<vmem_shared>>) offsets(%dma_start3A_33 : memref<125xi32, #tpu.memory_space<vmem>>) semaphore(%run_scoped3A : memref<!tpu.dma_semaphore, #tpu.memory_space<semaphore_mem>>) {add = true}
        %dma_wait3A = arith.constant 0 : i32
        %dma_wait3A_37 = tpu.memref_slice %arg4[%add3A_31, %dma_wait3A] : memref<80x125xi32, #tpu.memory_space<vmem>> -> memref<1x125xi32, #tpu.memory_space<vmem>>
        %dma_wait3A_38 = tpu.memref_squeeze %dma_wait3A_37 : memref<1x125xi32, #tpu.memory_space<vmem>> -> memref<125xi32, #tpu.memory_space<vmem>>
        %dma_wait3A_39 = arith.constant 0 : i32
        %dma_wait3A_40 = arith.constant 0 : i32
        %dma_wait3A_41 = tpu.memref_slice %arg7[%dma_wait3A_39, %dma_wait3A_40] : memref<10240x16xf32, #tpu.memory_space<vmem_shared>> -> memref<10240x16xf32, #tpu.memory_space<vmem_shared>>
        tpu.wait_indirect_dma semaphore(%run_scoped3A : memref<!tpu.dma_semaphore, #tpu.memory_space<semaphore_mem>>) src(%arg5 : memref<125x16xf32, #tpu.memory_space<vmem>>) dst(%dma_wait3A_41 : memref<10240x16xf32, #tpu.memory_space<vmem_shared>>)
        tpu.yield
      }) : () -> ()
    }
    %scan3A_19 = arith.constant 80 : i32
    %barrier3A_20 = arith.constant 0 : index
    tpu.barrier barrier_id(%barrier3A_20)
    %mul3A_21 = arith.constant 640 : i32
    %mul3A_22 = arith.muli %arg1, %mul3A_21 : i32
    "tpu.region"() ({
      %run_scoped3A = tpu.sem_alloc : memref<!tpu.dma_semaphore, #tpu.memory_space<semaphore_mem>>
      %dma_start3A = arith.constant 0 : i32
      %dma_start3A_27 = tpu.memref_slice %arg7[%mul3A_22, %dma_start3A] : memref<10240x16xf32, #tpu.memory_space<vmem_shared>> -> memref<640x16xf32, #tpu.memory_space<vmem_shared>>
      %dma_start3A_28 = arith.constant 0 : i32
      %dma_start3A_29 = tpu.memref_slice %arg7[%mul3A_22, %dma_start3A_28] : memref<10240x16xf32, #tpu.memory_space<vmem_shared>> -> memref<640x16xf32, #tpu.memory_space<vmem_shared>>
      tpu.enqueue_dma source(%dma_start3A_29 : memref<640x16xf32, #tpu.memory_space<vmem_shared>>) target(%arg6 : memref<640x16xf32, #tpu.memory_space<vmem>>) target_semaphore(%run_scoped3A : memref<!tpu.dma_semaphore, #tpu.memory_space<semaphore_mem>>)
      %dma_wait3A = arith.constant 0 : i32
      %dma_wait3A_30 = tpu.memref_slice %arg7[%mul3A_22, %dma_wait3A] : memref<10240x16xf32, #tpu.memory_space<vmem_shared>> -> memref<640x16xf32, #tpu.memory_space<vmem_shared>>
      %dma_wait3A_31 = arith.constant 0 : i32
      %dma_wait3A_32 = tpu.memref_slice %arg7[%mul3A_22, %dma_wait3A_31] : memref<10240x16xf32, #tpu.memory_space<vmem_shared>> -> memref<640x16xf32, #tpu.memory_space<vmem_shared>>
      tpu.wait_dma2 semaphore(%run_scoped3A : memref<!tpu.dma_semaphore, #tpu.memory_space<semaphore_mem>>) src(%dma_wait3A_32 : memref<640x16xf32, #tpu.memory_space<vmem_shared>>) dst(%arg6 : memref<640x16xf32, #tpu.memory_space<vmem>>)
      tpu.yield
    }) : () -> ()
    %mul3A_23 = arith.constant 640 : i32
    %mul3A_24 = arith.muli %arg1, %mul3A_23 : i32
    %mul3A_25 = arith.constant 64 : i32
    %mul3A_26 = arith.muli %arg0, %mul3A_25 : i32
    "tpu.region"() ({
      %run_scoped3A = tpu.sem_alloc : memref<!tpu.dma_semaphore, #tpu.memory_space<semaphore_mem>>
      %dma_start3A = tpu.memref_slice %arg3[%mul3A_24, %mul3A_26] : memref<10240x128xf32, #tpu.memory_space<hbm>> -> memref<640x16xf32, #tpu.memory_space<hbm>>
      %dma_start3A_27 = tpu.memref_slice %arg3[%mul3A_24, %mul3A_26] : memref<10240x128xf32, #tpu.memory_space<hbm>> -> memref<640x16xf32, #tpu.memory_space<hbm>>
      tpu.enqueue_dma source(%arg6 : memref<640x16xf32, #tpu.memory_space<vmem>>) target(%dma_start3A_27 : memref<640x16xf32, #tpu.memory_space<hbm>>) target_semaphore(%run_scoped3A : memref<!tpu.dma_semaphore, #tpu.memory_space<semaphore_mem>>)
      %dma_wait3A = tpu.memref_slice %arg3[%mul3A_24, %mul3A_26] : memref<10240x128xf32, #tpu.memory_space<hbm>> -> memref<640x16xf32, #tpu.memory_space<hbm>>
      %dma_wait3A_28 = tpu.memref_slice %arg3[%mul3A_24, %mul3A_26] : memref<10240x128xf32, #tpu.memory_space<hbm>> -> memref<640x16xf32, #tpu.memory_space<hbm>>
      tpu.wait_dma2 semaphore(%run_scoped3A : memref<!tpu.dma_semaphore, #tpu.memory_space<semaphore_mem>>) src(%arg6 : memref<640x16xf32, #tpu.memory_space<vmem>>) dst(%dma_wait3A_28 : memref<640x16xf32, #tpu.memory_space<hbm>>)
      tpu.yield
    }) : () -> ()
    return
  }
}

#map = affine_map<(d0, d1) -> (0, 0)>
#map1 = affine_map<(d0, d1) -> (0, 0, 0)>
module attributes {stable_mosaic.version = 14 : i64} {
  func.func @agg(%arg0: i32, %arg1: i32, %arg2: memref<10000x16xf32, #tpu.memory_space<hbm>>, %arg3: memref<32x80x125xi32, #tpu.memory_space<hbm>>, %arg4: memref<32x80x125xi32, #tpu.memory_space<hbm>>, %arg5: memref<10240x128xf32, #tpu.memory_space<hbm>>, %arg6: memref<80x125xi32, #tpu.memory_space<vmem>>, %arg7: memref<80x125xi32, #tpu.memory_space<vmem>>, %arg8: memref<4x125x16xf32, #tpu.memory_space<vmem>>, %arg9: memref<640x16xf32, #tpu.memory_space<vmem>>, %arg10: memref<10240x16xf32, #tpu.memory_space<vmem_shared>>, %arg11: memref<4x!tpu.dma_semaphore, #tpu.memory_space<semaphore_mem>>, %arg12: memref<4x!tpu.dma_semaphore, #tpu.memory_space<semaphore_mem>>) attributes {dimension_semantics = [#tpu.dimension_semantics<core_parallel>, #tpu.dimension_semantics<subcore_parallel>], iteration_bounds = array<i64: 2, 16>, scalar_prefetch = 0 : i64, scratch_operands = 7 : i64, tpu.core_type = #tpu.core_type<sc_vector_subcore>, window_params = [{transform_indices = #map}, {transform_indices = #map1}, {transform_indices = #map1}, {transform_indices = #map}]} {
    %mul3A = arith.constant 16 : i32
    %mul3A_0 = arith.muli %arg0, %mul3A : i32
    %add3A = arith.addi %mul3A_0, %arg1 : i32
    %broadcast_in_dim3A = arith.constant 0.000000e+00 : f32
    %broadcast_in_dim3A_1 = vector.broadcast %broadcast_in_dim3A : f32 to vector<16xf32>
    %scan3A = arith.constant 0 : i32
    %scan3A_2 = arith.constant 640 : i32
    %scan3A_3 = arith.addi %scan3A, %scan3A_2 : i32
    %scan3A_4 = arith.constant 1 : i32
    scf.for %scan3A_78 = %scan3A to %scan3A_3 step %scan3A_4  : i32 {
      %mul3A_79 = arith.constant 1 : i32
      %mul3A_80 = arith.muli %scan3A_78, %mul3A_79 : i32
      %add3A_81 = arith.constant 0 : i32
      %add3A_82 = arith.addi %add3A_81, %mul3A_80 : i32
      %swap3A = arith.index_cast %add3A_82 : i32 to index
      %swap3A_83 = arith.constant 0 : index
      %swap3A_84 = tpu.vector_load %arg9[%swap3A, %swap3A_83] {strides = array<i32>} : memref<640x16xf32, #tpu.memory_space<vmem>>, vector<1x16xf32>,
      %swap3A_85 = vector.shape_cast %swap3A_84 : vector<1x16xf32> to vector<16xf32>
      %swap3A_86 = vector.shape_cast %broadcast_in_dim3A_1 : vector<16xf32> to vector<1x16xf32>
      tpu.vector_store %arg9[%swap3A, %swap3A_83], %swap3A_86 {strides = array<i32>} : memref<640x16xf32, #tpu.memory_space<vmem>>, vector<1x16xf32>,
    }
    %scan3A_5 = arith.constant 640 : i32
    %mul3A_6 = arith.constant 640 : i32
    %mul3A_7 = arith.muli %arg1, %mul3A_6 : i32
    "tpu.region"() ({
      %run_scoped3A = tpu.sem_alloc : memref<!tpu.dma_semaphore, #tpu.memory_space<semaphore_mem>>
      %dma_start3A_78 = arith.constant 0 : i32
      %dma_start3A_79 = tpu.memref_slice %arg10[%mul3A_7, %dma_start3A_78] : memref<10240x16xf32, #tpu.memory_space<vmem_shared>> -> memref<640x16xf32, #tpu.memory_space<vmem_shared>>
      %dma_start3A_80 = arith.constant 0 : i32
      %dma_start3A_81 = tpu.memref_slice %arg10[%mul3A_7, %dma_start3A_80] : memref<10240x16xf32, #tpu.memory_space<vmem_shared>> -> memref<640x16xf32, #tpu.memory_space<vmem_shared>>
      tpu.enqueue_dma source(%arg9 : memref<640x16xf32, #tpu.memory_space<vmem>>) target(%dma_start3A_81 : memref<640x16xf32, #tpu.memory_space<vmem_shared>>) target_semaphore(%run_scoped3A : memref<!tpu.dma_semaphore, #tpu.memory_space<semaphore_mem>>)
      %dma_wait3A_82 = arith.constant 0 : i32
      %dma_wait3A_83 = tpu.memref_slice %arg10[%mul3A_7, %dma_wait3A_82] : memref<10240x16xf32, #tpu.memory_space<vmem_shared>> -> memref<640x16xf32, #tpu.memory_space<vmem_shared>>
      %dma_wait3A_84 = arith.constant 0 : i32
      %dma_wait3A_85 = tpu.memref_slice %arg10[%mul3A_7, %dma_wait3A_84] : memref<10240x16xf32, #tpu.memory_space<vmem_shared>> -> memref<640x16xf32, #tpu.memory_space<vmem_shared>>
      tpu.wait_dma2 semaphore(%run_scoped3A : memref<!tpu.dma_semaphore, #tpu.memory_space<semaphore_mem>>) src(%arg9 : memref<640x16xf32, #tpu.memory_space<vmem>>) dst(%dma_wait3A_85 : memref<640x16xf32, #tpu.memory_space<vmem_shared>>)
      tpu.yield
    }) : () -> ()
    "tpu.region"() ({
      %run_scoped3A = tpu.sem_alloc : memref<!tpu.dma_semaphore, #tpu.memory_space<semaphore_mem>>
      %dma_start3A_78 = arith.constant 0 : i32
      %dma_start3A_79 = arith.constant 0 : i32
      %dma_start3A_80 = tpu.memref_slice %arg3[%add3A, %dma_start3A_78, %dma_start3A_79] : memref<32x80x125xi32, #tpu.memory_space<hbm>> -> memref<1x80x125xi32, #tpu.memory_space<hbm>>
      %dma_start3A_81 = tpu.memref_squeeze %dma_start3A_80 : memref<1x80x125xi32, #tpu.memory_space<hbm>> -> memref<80x125xi32, #tpu.memory_space<hbm>>
      %dma_start3A_82 = arith.constant 0 : i32
      %dma_start3A_83 = arith.constant 0 : i32
      %dma_start3A_84 = tpu.memref_slice %arg3[%add3A, %dma_start3A_82, %dma_start3A_83] : memref<32x80x125xi32, #tpu.memory_space<hbm>> -> memref<1x80x125xi32, #tpu.memory_space<hbm>>
      %dma_start3A_85 = tpu.memref_squeeze %dma_start3A_84 : memref<1x80x125xi32, #tpu.memory_space<hbm>> -> memref<80x125xi32, #tpu.memory_space<hbm>>
      tpu.enqueue_dma source(%dma_start3A_85 : memref<80x125xi32, #tpu.memory_space<hbm>>) target(%arg6 : memref<80x125xi32, #tpu.memory_space<vmem>>) target_semaphore(%run_scoped3A : memref<!tpu.dma_semaphore, #tpu.memory_space<semaphore_mem>>)
      %dma_wait3A_86 = arith.constant 0 : i32
      %dma_wait3A_87 = arith.constant 0 : i32
      %dma_wait3A_88 = tpu.memref_slice %arg3[%add3A, %dma_wait3A_86, %dma_wait3A_87] : memref<32x80x125xi32, #tpu.memory_space<hbm>> -> memref<1x80x125xi32, #tpu.memory_space<hbm>>
      %dma_wait3A_89 = tpu.memref_squeeze %dma_wait3A_88 : memref<1x80x125xi32, #tpu.memory_space<hbm>> -> memref<80x125xi32, #tpu.memory_space<hbm>>
      %dma_wait3A_90 = arith.constant 0 : i32
      %dma_wait3A_91 = arith.constant 0 : i32
      %dma_wait3A_92 = tpu.memref_slice %arg3[%add3A, %dma_wait3A_90, %dma_wait3A_91] : memref<32x80x125xi32, #tpu.memory_space<hbm>> -> memref<1x80x125xi32, #tpu.memory_space<hbm>>
      %dma_wait3A_93 = tpu.memref_squeeze %dma_wait3A_92 : memref<1x80x125xi32, #tpu.memory_space<hbm>> -> memref<80x125xi32, #tpu.memory_space<hbm>>
      tpu.wait_dma2 semaphore(%run_scoped3A : memref<!tpu.dma_semaphore, #tpu.memory_space<semaphore_mem>>) src(%dma_wait3A_93 : memref<80x125xi32, #tpu.memory_space<hbm>>) dst(%arg6 : memref<80x125xi32, #tpu.memory_space<vmem>>)
      tpu.yield
    }) : () -> ()
    "tpu.region"() ({
      %run_scoped3A = tpu.sem_alloc : memref<!tpu.dma_semaphore, #tpu.memory_space<semaphore_mem>>
      %dma_start3A_78 = arith.constant 0 : i32
      %dma_start3A_79 = arith.constant 0 : i32
      %dma_start3A_80 = tpu.memref_slice %arg4[%add3A, %dma_start3A_78, %dma_start3A_79] : memref<32x80x125xi32, #tpu.memory_space<hbm>> -> memref<1x80x125xi32, #tpu.memory_space<hbm>>
      %dma_start3A_81 = tpu.memref_squeeze %dma_start3A_80 : memref<1x80x125xi32, #tpu.memory_space<hbm>> -> memref<80x125xi32, #tpu.memory_space<hbm>>
      %dma_start3A_82 = arith.constant 0 : i32
      %dma_start3A_83 = arith.constant 0 : i32
      %dma_start3A_84 = tpu.memref_slice %arg4[%add3A, %dma_start3A_82, %dma_start3A_83] : memref<32x80x125xi32, #tpu.memory_space<hbm>> -> memref<1x80x125xi32, #tpu.memory_space<hbm>>
      %dma_start3A_85 = tpu.memref_squeeze %dma_start3A_84 : memref<1x80x125xi32, #tpu.memory_space<hbm>> -> memref<80x125xi32, #tpu.memory_space<hbm>>
      tpu.enqueue_dma source(%dma_start3A_85 : memref<80x125xi32, #tpu.memory_space<hbm>>) target(%arg7 : memref<80x125xi32, #tpu.memory_space<vmem>>) target_semaphore(%run_scoped3A : memref<!tpu.dma_semaphore, #tpu.memory_space<semaphore_mem>>)
      %dma_wait3A_86 = arith.constant 0 : i32
      %dma_wait3A_87 = arith.constant 0 : i32
      %dma_wait3A_88 = tpu.memref_slice %arg4[%add3A, %dma_wait3A_86, %dma_wait3A_87] : memref<32x80x125xi32, #tpu.memory_space<hbm>> -> memref<1x80x125xi32, #tpu.memory_space<hbm>>
      %dma_wait3A_89 = tpu.memref_squeeze %dma_wait3A_88 : memref<1x80x125xi32, #tpu.memory_space<hbm>> -> memref<80x125xi32, #tpu.memory_space<hbm>>
      %dma_wait3A_90 = arith.constant 0 : i32
      %dma_wait3A_91 = arith.constant 0 : i32
      %dma_wait3A_92 = tpu.memref_slice %arg4[%add3A, %dma_wait3A_90, %dma_wait3A_91] : memref<32x80x125xi32, #tpu.memory_space<hbm>> -> memref<1x80x125xi32, #tpu.memory_space<hbm>>
      %dma_wait3A_93 = tpu.memref_squeeze %dma_wait3A_92 : memref<1x80x125xi32, #tpu.memory_space<hbm>> -> memref<80x125xi32, #tpu.memory_space<hbm>>
      tpu.wait_dma2 semaphore(%run_scoped3A : memref<!tpu.dma_semaphore, #tpu.memory_space<semaphore_mem>>) src(%dma_wait3A_93 : memref<80x125xi32, #tpu.memory_space<hbm>>) dst(%arg7 : memref<80x125xi32, #tpu.memory_space<vmem>>)
      tpu.yield
    }) : () -> ()
    %barrier3A = arith.constant 0 : index
    tpu.barrier barrier_id(%barrier3A)
    %dma_start3A = arith.constant 0 : i32
    %dma_start3A_8 = arith.constant 0 : i32
    %dma_start3A_9 = arith.constant 0 : i32
    %dma_start3A_10 = arith.constant 0 : i32
    %dma_start3A_11 = arith.constant 0 : i32
    %dma_start3A_12 = tpu.memref_slice %arg8[%dma_start3A_8, %dma_start3A_10, %dma_start3A_11] : memref<4x125x16xf32, #tpu.memory_space<vmem>> -> memref<1x125x16xf32, #tpu.memory_space<vmem>>
    %dma_start3A_13 = tpu.memref_squeeze %dma_start3A_12 : memref<1x125x16xf32, #tpu.memory_space<vmem>> -> memref<125x16xf32, #tpu.memory_space<vmem>>
    %dma_start3A_14 = arith.constant 0 : i32
    %dma_start3A_15 = tpu.memref_slice %arg6[%dma_start3A, %dma_start3A_14] : memref<80x125xi32, #tpu.memory_space<vmem>> -> memref<1x125xi32, #tpu.memory_space<vmem>>
    %dma_start3A_16 = tpu.memref_squeeze %dma_start3A_15 : memref<1x125xi32, #tpu.memory_space<vmem>> -> memref<125xi32, #tpu.memory_space<vmem>>
    %dma_start3A_17 = arith.constant 0 : i32
    %dma_start3A_18 = arith.constant 0 : i32
    %dma_start3A_19 = tpu.memref_slice %arg2[%dma_start3A_17, %dma_start3A_18] : memref<10000x16xf32, #tpu.memory_space<hbm>> -> memref<10000x16xf32, #tpu.memory_space<hbm>>
    %dma_start3A_20 = tpu.memref_slice %arg11[%dma_start3A_9] : memref<4x!tpu.dma_semaphore, #tpu.memory_space<semaphore_mem>> -> memref<1x!tpu.dma_semaphore, #tpu.memory_space<semaphore_mem>>
    %dma_start3A_21 = tpu.memref_squeeze %dma_start3A_20 : memref<1x!tpu.dma_semaphore, #tpu.memory_space<semaphore_mem>> -> memref<!tpu.dma_semaphore, #tpu.memory_space<semaphore_mem>>
    tpu.enqueue_indirect_dma source(%dma_start3A_19 : memref<10000x16xf32, #tpu.memory_space<hbm>>) target(%dma_start3A_13 : memref<125x16xf32, #tpu.memory_space<vmem>>) offsets(%dma_start3A_16 : memref<125xi32, #tpu.memory_space<vmem>>) semaphore(%dma_start3A_21 : memref<!tpu.dma_semaphore, #tpu.memory_space<semaphore_mem>>)
    %dma_start3A_22 = arith.constant 1 : i32
    %dma_start3A_23 = arith.constant 1 : i32
    %dma_start3A_24 = arith.constant 1 : i32
    %dma_start3A_25 = arith.constant 0 : i32
    %dma_start3A_26 = arith.constant 0 : i32
    %dma_start3A_27 = tpu.memref_slice %arg8[%dma_start3A_23, %dma_start3A_25, %dma_start3A_26] : memref<4x125x16xf32, #tpu.memory_space<vmem>> -> memref<1x125x16xf32, #tpu.memory_space<vmem>>
    %dma_start3A_28 = tpu.memref_squeeze %dma_start3A_27 : memref<1x125x16xf32, #tpu.memory_space<vmem>> -> memref<125x16xf32, #tpu.memory_space<vmem>>
    %dma_start3A_29 = arith.constant 0 : i32
    %dma_start3A_30 = tpu.memref_slice %arg6[%dma_start3A_22, %dma_start3A_29] : memref<80x125xi32, #tpu.memory_space<vmem>> -> memref<1x125xi32, #tpu.memory_space<vmem>>
    %dma_start3A_31 = tpu.memref_squeeze %dma_start3A_30 : memref<1x125xi32, #tpu.memory_space<vmem>> -> memref<125xi32, #tpu.memory_space<vmem>>
    %dma_start3A_32 = arith.constant 0 : i32
    %dma_start3A_33 = arith.constant 0 : i32
    %dma_start3A_34 = tpu.memref_slice %arg2[%dma_start3A_32, %dma_start3A_33] : memref<10000x16xf32, #tpu.memory_space<hbm>> -> memref<10000x16xf32, #tpu.memory_space<hbm>>
    %dma_start3A_35 = tpu.memref_slice %arg11[%dma_start3A_24] : memref<4x!tpu.dma_semaphore, #tpu.memory_space<semaphore_mem>> -> memref<1x!tpu.dma_semaphore, #tpu.memory_space<semaphore_mem>>
    %dma_start3A_36 = tpu.memref_squeeze %dma_start3A_35 : memref<1x!tpu.dma_semaphore, #tpu.memory_space<semaphore_mem>> -> memref<!tpu.dma_semaphore, #tpu.memory_space<semaphore_mem>>
    tpu.enqueue_indirect_dma source(%dma_start3A_34 : memref<10000x16xf32, #tpu.memory_space<hbm>>) target(%dma_start3A_28 : memref<125x16xf32, #tpu.memory_space<vmem>>) offsets(%dma_start3A_31 : memref<125xi32, #tpu.memory_space<vmem>>) semaphore(%dma_start3A_36 : memref<!tpu.dma_semaphore, #tpu.memory_space<semaphore_mem>>)
    %scan3A_37 = arith.constant 0 : i32
    %scan3A_38 = arith.constant 20 : i32
    %scan3A_39 = arith.addi %scan3A_37, %scan3A_38 : i32
    %scan3A_40 = arith.constant 1 : i32
    scf.for %scan3A_78 = %scan3A_37 to %scan3A_39 step %scan3A_40  : i32 {
      %mul3A_79 = arith.constant 4 : i32
      %mul3A_80 = arith.muli %scan3A_78, %mul3A_79 : i32
      %add3A_81 = arith.constant 0 : i32
      %add3A_82 = arith.addi %add3A_81, %mul3A_80 : i32
      %add3A_83 = arith.constant 0 : i32
      %add3A_84 = arith.addi %add3A_82, %add3A_83 : i32
      %dma_wait3A_85 = arith.constant 0 : i32
      %dma_wait3A_86 = arith.constant 0 : i32
      %dma_wait3A_87 = arith.constant 0 : i32
      %dma_wait3A_88 = arith.constant 0 : i32
      %dma_wait3A_89 = tpu.memref_slice %arg8[%dma_wait3A_85, %dma_wait3A_87, %dma_wait3A_88] : memref<4x125x16xf32, #tpu.memory_space<vmem>> -> memref<1x125x16xf32, #tpu.memory_space<vmem>>
      %dma_wait3A_90 = tpu.memref_squeeze %dma_wait3A_89 : memref<1x125x16xf32, #tpu.memory_space<vmem>> -> memref<125x16xf32, #tpu.memory_space<vmem>>
      %dma_wait3A_91 = arith.constant 0 : i32
      %dma_wait3A_92 = tpu.memref_slice %arg6[%add3A_84, %dma_wait3A_91] : memref<80x125xi32, #tpu.memory_space<vmem>> -> memref<1x125xi32, #tpu.memory_space<vmem>>
      %dma_wait3A_93 = tpu.memref_squeeze %dma_wait3A_92 : memref<1x125xi32, #tpu.memory_space<vmem>> -> memref<125xi32, #tpu.memory_space<vmem>>
      %dma_wait3A_94 = arith.constant 0 : i32
      %dma_wait3A_95 = arith.constant 0 : i32
      %dma_wait3A_96 = tpu.memref_slice %arg2[%dma_wait3A_94, %dma_wait3A_95] : memref<10000x16xf32, #tpu.memory_space<hbm>> -> memref<10000x16xf32, #tpu.memory_space<hbm>>
      %dma_wait3A_97 = tpu.memref_slice %arg11[%dma_wait3A_86] : memref<4x!tpu.dma_semaphore, #tpu.memory_space<semaphore_mem>> -> memref<1x!tpu.dma_semaphore, #tpu.memory_space<semaphore_mem>>
      %dma_wait3A_98 = tpu.memref_squeeze %dma_wait3A_97 : memref<1x!tpu.dma_semaphore, #tpu.memory_space<semaphore_mem>> -> memref<!tpu.dma_semaphore, #tpu.memory_space<semaphore_mem>>
      tpu.wait_indirect_dma semaphore(%dma_wait3A_98 : memref<!tpu.dma_semaphore, #tpu.memory_space<semaphore_mem>>) src(%dma_wait3A_96 : memref<10000x16xf32, #tpu.memory_space<hbm>>) dst(%dma_wait3A_90 : memref<125x16xf32, #tpu.memory_space<vmem>>)
      %ge3A = arith.constant 2 : i32
      %ge3A_99 = arith.cmpi sge, %add3A_84, %ge3A : i32
      %convert_element_type3A = arith.extui %ge3A_99 : i1 to i32
      %cond3A = arith.constant 0 : i32
      %cond3A_100 = arith.cmpi ne, %convert_element_type3A, %cond3A : i32
      scf.if %cond3A_100 {
        %dma_wait3A_247 = arith.constant 2 : i32
        %dma_wait3A_248 = arith.constant 2 : i32
        %dma_wait3A_249 = arith.constant 0 : i32
        %dma_wait3A_250 = arith.constant 0 : i32
        %dma_wait3A_251 = tpu.memref_slice %arg8[%dma_wait3A_247, %dma_wait3A_249, %dma_wait3A_250] : memref<4x125x16xf32, #tpu.memory_space<vmem>> -> memref<1x125x16xf32, #tpu.memory_space<vmem>>
        %dma_wait3A_252 = tpu.memref_squeeze %dma_wait3A_251 : memref<1x125x16xf32, #tpu.memory_space<vmem>> -> memref<125x16xf32, #tpu.memory_space<vmem>>
        %dma_wait3A_253 = arith.constant 0 : i32
        %dma_wait3A_254 = tpu.memref_slice %arg7[%add3A_84, %dma_wait3A_253] : memref<80x125xi32, #tpu.memory_space<vmem>> -> memref<1x125xi32, #tpu.memory_space<vmem>>
        %dma_wait3A_255 = tpu.memref_squeeze %dma_wait3A_254 : memref<1x125xi32, #tpu.memory_space<vmem>> -> memref<125xi32, #tpu.memory_space<vmem>>
        %dma_wait3A_256 = arith.constant 0 : i32
        %dma_wait3A_257 = arith.constant 0 : i32
        %dma_wait3A_258 = tpu.memref_slice %arg10[%dma_wait3A_256, %dma_wait3A_257] : memref<10240x16xf32, #tpu.memory_space<vmem_shared>> -> memref<10240x16xf32, #tpu.memory_space<vmem_shared>>
        %dma_wait3A_259 = tpu.memref_slice %arg12[%dma_wait3A_248] : memref<4x!tpu.dma_semaphore, #tpu.memory_space<semaphore_mem>> -> memref<1x!tpu.dma_semaphore, #tpu.memory_space<semaphore_mem>>
        %dma_wait3A_260 = tpu.memref_squeeze %dma_wait3A_259 : memref<1x!tpu.dma_semaphore, #tpu.memory_space<semaphore_mem>> -> memref<!tpu.dma_semaphore, #tpu.memory_space<semaphore_mem>>
        tpu.wait_indirect_dma semaphore(%dma_wait3A_260 : memref<!tpu.dma_semaphore, #tpu.memory_space<semaphore_mem>>) src(%dma_wait3A_252 : memref<125x16xf32, #tpu.memory_space<vmem>>) dst(%dma_wait3A_258 : memref<10240x16xf32, #tpu.memory_space<vmem_shared>>)
      } else {
      }
      %add3A_101 = arith.constant 2 : i32
      %add3A_102 = arith.addi %add3A_84, %add3A_101 : i32
      %lt3A = arith.constant 80 : i32
      %lt3A_103 = arith.cmpi slt, %add3A_102, %lt3A : i32
      %convert_element_type3A_104 = arith.extui %lt3A_103 : i1 to i32
      %cond3A_105 = arith.constant 0 : i32
      %cond3A_106 = arith.cmpi ne, %convert_element_type3A_104, %cond3A_105 : i32
      scf.if %cond3A_106 {
        %add3A_247 = arith.constant 2 : i32
        %add3A_248 = arith.addi %add3A_84, %add3A_247 : i32
        %dma_start3A_249 = arith.constant 2 : i32
        %dma_start3A_250 = arith.constant 2 : i32
        %dma_start3A_251 = arith.constant 0 : i32
        %dma_start3A_252 = arith.constant 0 : i32
        %dma_start3A_253 = tpu.memref_slice %arg8[%dma_start3A_249, %dma_start3A_251, %dma_start3A_252] : memref<4x125x16xf32, #tpu.memory_space<vmem>> -> memref<1x125x16xf32, #tpu.memory_space<vmem>>
        %dma_start3A_254 = tpu.memref_squeeze %dma_start3A_253 : memref<1x125x16xf32, #tpu.memory_space<vmem>> -> memref<125x16xf32, #tpu.memory_space<vmem>>
        %dma_start3A_255 = arith.constant 0 : i32
        %dma_start3A_256 = tpu.memref_slice %arg6[%add3A_248, %dma_start3A_255] : memref<80x125xi32, #tpu.memory_space<vmem>> -> memref<1x125xi32, #tpu.memory_space<vmem>>
        %dma_start3A_257 = tpu.memref_squeeze %dma_start3A_256 : memref<1x125xi32, #tpu.memory_space<vmem>> -> memref<125xi32, #tpu.memory_space<vmem>>
        %dma_start3A_258 = arith.constant 0 : i32
        %dma_start3A_259 = arith.constant 0 : i32
        %dma_start3A_260 = tpu.memref_slice %arg2[%dma_start3A_258, %dma_start3A_259] : memref<10000x16xf32, #tpu.memory_space<hbm>> -> memref<10000x16xf32, #tpu.memory_space<hbm>>
        %dma_start3A_261 = tpu.memref_slice %arg11[%dma_start3A_250] : memref<4x!tpu.dma_semaphore, #tpu.memory_space<semaphore_mem>> -> memref<1x!tpu.dma_semaphore, #tpu.memory_space<semaphore_mem>>
        %dma_start3A_262 = tpu.memref_squeeze %dma_start3A_261 : memref<1x!tpu.dma_semaphore, #tpu.memory_space<semaphore_mem>> -> memref<!tpu.dma_semaphore, #tpu.memory_space<semaphore_mem>>
        tpu.enqueue_indirect_dma source(%dma_start3A_260 : memref<10000x16xf32, #tpu.memory_space<hbm>>) target(%dma_start3A_254 : memref<125x16xf32, #tpu.memory_space<vmem>>) offsets(%dma_start3A_257 : memref<125xi32, #tpu.memory_space<vmem>>) semaphore(%dma_start3A_262 : memref<!tpu.dma_semaphore, #tpu.memory_space<semaphore_mem>>)
      } else {
      }
      %dma_start3A_107 = arith.constant 0 : i32
      %dma_start3A_108 = arith.constant 0 : i32
      %dma_start3A_109 = arith.constant 0 : i32
      %dma_start3A_110 = arith.constant 0 : i32
      %dma_start3A_111 = tpu.memref_slice %arg8[%dma_start3A_107, %dma_start3A_109, %dma_start3A_110] : memref<4x125x16xf32, #tpu.memory_space<vmem>> -> memref<1x125x16xf32, #tpu.memory_space<vmem>>
      %dma_start3A_112 = tpu.memref_squeeze %dma_start3A_111 : memref<1x125x16xf32, #tpu.memory_space<vmem>> -> memref<125x16xf32, #tpu.memory_space<vmem>>
      %dma_start3A_113 = arith.constant 0 : i32
      %dma_start3A_114 = tpu.memref_slice %arg7[%add3A_84, %dma_start3A_113] : memref<80x125xi32, #tpu.memory_space<vmem>> -> memref<1x125xi32, #tpu.memory_space<vmem>>
      %dma_start3A_115 = tpu.memref_squeeze %dma_start3A_114 : memref<1x125xi32, #tpu.memory_space<vmem>> -> memref<125xi32, #tpu.memory_space<vmem>>
      %dma_start3A_116 = arith.constant 0 : i32
      %dma_start3A_117 = arith.constant 0 : i32
      %dma_start3A_118 = tpu.memref_slice %arg10[%dma_start3A_116, %dma_start3A_117] : memref<10240x16xf32, #tpu.memory_space<vmem_shared>> -> memref<10240x16xf32, #tpu.memory_space<vmem_shared>>
      %dma_start3A_119 = tpu.memref_slice %arg12[%dma_start3A_108] : memref<4x!tpu.dma_semaphore, #tpu.memory_space<semaphore_mem>> -> memref<1x!tpu.dma_semaphore, #tpu.memory_space<semaphore_mem>>
      %dma_start3A_120 = tpu.memref_squeeze %dma_start3A_119 : memref<1x!tpu.dma_semaphore, #tpu.memory_space<semaphore_mem>> -> memref<!tpu.dma_semaphore, #tpu.memory_space<semaphore_mem>>
      tpu.enqueue_indirect_dma source(%dma_start3A_112 : memref<125x16xf32, #tpu.memory_space<vmem>>) target(%dma_start3A_118 : memref<10240x16xf32, #tpu.memory_space<vmem_shared>>) offsets(%dma_start3A_115 : memref<125xi32, #tpu.memory_space<vmem>>) semaphore(%dma_start3A_120 : memref<!tpu.dma_semaphore, #tpu.memory_space<semaphore_mem>>) {add = true}
      %add3A_121 = arith.constant 1 : i32
      %add3A_122 = arith.addi %add3A_82, %add3A_121 : i32
      %dma_wait3A_123 = arith.constant 1 : i32
      %dma_wait3A_124 = arith.constant 1 : i32
      %dma_wait3A_125 = arith.constant 0 : i32
      %dma_wait3A_126 = arith.constant 0 : i32
      %dma_wait3A_127 = tpu.memref_slice %arg8[%dma_wait3A_123, %dma_wait3A_125, %dma_wait3A_126] : memref<4x125x16xf32, #tpu.memory_space<vmem>> -> memref<1x125x16xf32, #tpu.memory_space<vmem>>
      %dma_wait3A_128 = tpu.memref_squeeze %dma_wait3A_127 : memref<1x125x16xf32, #tpu.memory_space<vmem>> -> memref<125x16xf32, #tpu.memory_space<vmem>>
      %dma_wait3A_129 = arith.constant 0 : i32
      %dma_wait3A_130 = tpu.memref_slice %arg6[%add3A_122, %dma_wait3A_129] : memref<80x125xi32, #tpu.memory_space<vmem>> -> memref<1x125xi32, #tpu.memory_space<vmem>>
      %dma_wait3A_131 = tpu.memref_squeeze %dma_wait3A_130 : memref<1x125xi32, #tpu.memory_space<vmem>> -> memref<125xi32, #tpu.memory_space<vmem>>
      %dma_wait3A_132 = arith.constant 0 : i32
      %dma_wait3A_133 = arith.constant 0 : i32
      %dma_wait3A_134 = tpu.memref_slice %arg2[%dma_wait3A_132, %dma_wait3A_133] : memref<10000x16xf32, #tpu.memory_space<hbm>> -> memref<10000x16xf32, #tpu.memory_space<hbm>>
      %dma_wait3A_135 = tpu.memref_slice %arg11[%dma_wait3A_124] : memref<4x!tpu.dma_semaphore, #tpu.memory_space<semaphore_mem>> -> memref<1x!tpu.dma_semaphore, #tpu.memory_space<semaphore_mem>>
      %dma_wait3A_136 = tpu.memref_squeeze %dma_wait3A_135 : memref<1x!tpu.dma_semaphore, #tpu.memory_space<semaphore_mem>> -> memref<!tpu.dma_semaphore, #tpu.memory_space<semaphore_mem>>
      tpu.wait_indirect_dma semaphore(%dma_wait3A_136 : memref<!tpu.dma_semaphore, #tpu.memory_space<semaphore_mem>>) src(%dma_wait3A_134 : memref<10000x16xf32, #tpu.memory_space<hbm>>) dst(%dma_wait3A_128 : memref<125x16xf32, #tpu.memory_space<vmem>>)
      %ge3A_137 = arith.constant 2 : i32
      %ge3A_138 = arith.cmpi sge, %add3A_122, %ge3A_137 : i32
      %convert_element_type3A_139 = arith.extui %ge3A_138 : i1 to i32
      %cond3A_140 = arith.constant 0 : i32
      %cond3A_141 = arith.cmpi ne, %convert_element_type3A_139, %cond3A_140 : i32
      scf.if %cond3A_141 {
        %dma_wait3A_247 = arith.constant 3 : i32
        %dma_wait3A_248 = arith.constant 3 : i32
        %dma_wait3A_249 = arith.constant 0 : i32
        %dma_wait3A_250 = arith.constant 0 : i32
        %dma_wait3A_251 = tpu.memref_slice %arg8[%dma_wait3A_247, %dma_wait3A_249, %dma_wait3A_250] : memref<4x125x16xf32, #tpu.memory_space<vmem>> -> memref<1x125x16xf32, #tpu.memory_space<vmem>>
        %dma_wait3A_252 = tpu.memref_squeeze %dma_wait3A_251 : memref<1x125x16xf32, #tpu.memory_space<vmem>> -> memref<125x16xf32, #tpu.memory_space<vmem>>
        %dma_wait3A_253 = arith.constant 0 : i32
        %dma_wait3A_254 = tpu.memref_slice %arg7[%add3A_122, %dma_wait3A_253] : memref<80x125xi32, #tpu.memory_space<vmem>> -> memref<1x125xi32, #tpu.memory_space<vmem>>
        %dma_wait3A_255 = tpu.memref_squeeze %dma_wait3A_254 : memref<1x125xi32, #tpu.memory_space<vmem>> -> memref<125xi32, #tpu.memory_space<vmem>>
        %dma_wait3A_256 = arith.constant 0 : i32
        %dma_wait3A_257 = arith.constant 0 : i32
        %dma_wait3A_258 = tpu.memref_slice %arg10[%dma_wait3A_256, %dma_wait3A_257] : memref<10240x16xf32, #tpu.memory_space<vmem_shared>> -> memref<10240x16xf32, #tpu.memory_space<vmem_shared>>
        %dma_wait3A_259 = tpu.memref_slice %arg12[%dma_wait3A_248] : memref<4x!tpu.dma_semaphore, #tpu.memory_space<semaphore_mem>> -> memref<1x!tpu.dma_semaphore, #tpu.memory_space<semaphore_mem>>
        %dma_wait3A_260 = tpu.memref_squeeze %dma_wait3A_259 : memref<1x!tpu.dma_semaphore, #tpu.memory_space<semaphore_mem>> -> memref<!tpu.dma_semaphore, #tpu.memory_space<semaphore_mem>>
        tpu.wait_indirect_dma semaphore(%dma_wait3A_260 : memref<!tpu.dma_semaphore, #tpu.memory_space<semaphore_mem>>) src(%dma_wait3A_252 : memref<125x16xf32, #tpu.memory_space<vmem>>) dst(%dma_wait3A_258 : memref<10240x16xf32, #tpu.memory_space<vmem_shared>>)
      } else {
      }
      %add3A_142 = arith.constant 2 : i32
      %add3A_143 = arith.addi %add3A_122, %add3A_142 : i32
      %lt3A_144 = arith.constant 80 : i32
      %lt3A_145 = arith.cmpi slt, %add3A_143, %lt3A_144 : i32
      %convert_element_type3A_146 = arith.extui %lt3A_145 : i1 to i32
      %cond3A_147 = arith.constant 0 : i32
      %cond3A_148 = arith.cmpi ne, %convert_element_type3A_146, %cond3A_147 : i32
      scf.if %cond3A_148 {
        %add3A_247 = arith.constant 2 : i32
        %add3A_248 = arith.addi %add3A_122, %add3A_247 : i32
        %dma_start3A_249 = arith.constant 3 : i32
        %dma_start3A_250 = arith.constant 3 : i32
        %dma_start3A_251 = arith.constant 0 : i32
        %dma_start3A_252 = arith.constant 0 : i32
        %dma_start3A_253 = tpu.memref_slice %arg8[%dma_start3A_249, %dma_start3A_251, %dma_start3A_252] : memref<4x125x16xf32, #tpu.memory_space<vmem>> -> memref<1x125x16xf32, #tpu.memory_space<vmem>>
        %dma_start3A_254 = tpu.memref_squeeze %dma_start3A_253 : memref<1x125x16xf32, #tpu.memory_space<vmem>> -> memref<125x16xf32, #tpu.memory_space<vmem>>
        %dma_start3A_255 = arith.constant 0 : i32
        %dma_start3A_256 = tpu.memref_slice %arg6[%add3A_248, %dma_start3A_255] : memref<80x125xi32, #tpu.memory_space<vmem>> -> memref<1x125xi32, #tpu.memory_space<vmem>>
        %dma_start3A_257 = tpu.memref_squeeze %dma_start3A_256 : memref<1x125xi32, #tpu.memory_space<vmem>> -> memref<125xi32, #tpu.memory_space<vmem>>
        %dma_start3A_258 = arith.constant 0 : i32
        %dma_start3A_259 = arith.constant 0 : i32
        %dma_start3A_260 = tpu.memref_slice %arg2[%dma_start3A_258, %dma_start3A_259] : memref<10000x16xf32, #tpu.memory_space<hbm>> -> memref<10000x16xf32, #tpu.memory_space<hbm>>
        %dma_start3A_261 = tpu.memref_slice %arg11[%dma_start3A_250] : memref<4x!tpu.dma_semaphore, #tpu.memory_space<semaphore_mem>> -> memref<1x!tpu.dma_semaphore, #tpu.memory_space<semaphore_mem>>
        %dma_start3A_262 = tpu.memref_squeeze %dma_start3A_261 : memref<1x!tpu.dma_semaphore, #tpu.memory_space<semaphore_mem>> -> memref<!tpu.dma_semaphore, #tpu.memory_space<semaphore_mem>>
        tpu.enqueue_indirect_dma source(%dma_start3A_260 : memref<10000x16xf32, #tpu.memory_space<hbm>>) target(%dma_start3A_254 : memref<125x16xf32, #tpu.memory_space<vmem>>) offsets(%dma_start3A_257 : memref<125xi32, #tpu.memory_space<vmem>>) semaphore(%dma_start3A_262 : memref<!tpu.dma_semaphore, #tpu.memory_space<semaphore_mem>>)
      } else {
      }
      %dma_start3A_149 = arith.constant 1 : i32
      %dma_start3A_150 = arith.constant 1 : i32
      %dma_start3A_151 = arith.constant 0 : i32
      %dma_start3A_152 = arith.constant 0 : i32
      %dma_start3A_153 = tpu.memref_slice %arg8[%dma_start3A_149, %dma_start3A_151, %dma_start3A_152] : memref<4x125x16xf32, #tpu.memory_space<vmem>> -> memref<1x125x16xf32, #tpu.memory_space<vmem>>
      %dma_start3A_154 = tpu.memref_squeeze %dma_start3A_153 : memref<1x125x16xf32, #tpu.memory_space<vmem>> -> memref<125x16xf32, #tpu.memory_space<vmem>>
      %dma_start3A_155 = arith.constant 0 : i32
      %dma_start3A_156 = tpu.memref_slice %arg7[%add3A_122, %dma_start3A_155] : memref<80x125xi32, #tpu.memory_space<vmem>> -> memref<1x125xi32, #tpu.memory_space<vmem>>
      %dma_start3A_157 = tpu.memref_squeeze %dma_start3A_156 : memref<1x125xi32, #tpu.memory_space<vmem>> -> memref<125xi32, #tpu.memory_space<vmem>>
      %dma_start3A_158 = arith.constant 0 : i32
      %dma_start3A_159 = arith.constant 0 : i32
      %dma_start3A_160 = tpu.memref_slice %arg10[%dma_start3A_158, %dma_start3A_159] : memref<10240x16xf32, #tpu.memory_space<vmem_shared>> -> memref<10240x16xf32, #tpu.memory_space<vmem_shared>>
      %dma_start3A_161 = tpu.memref_slice %arg12[%dma_start3A_150] : memref<4x!tpu.dma_semaphore, #tpu.memory_space<semaphore_mem>> -> memref<1x!tpu.dma_semaphore, #tpu.memory_space<semaphore_mem>>
      %dma_start3A_162 = tpu.memref_squeeze %dma_start3A_161 : memref<1x!tpu.dma_semaphore, #tpu.memory_space<semaphore_mem>> -> memref<!tpu.dma_semaphore, #tpu.memory_space<semaphore_mem>>
      tpu.enqueue_indirect_dma source(%dma_start3A_154 : memref<125x16xf32, #tpu.memory_space<vmem>>) target(%dma_start3A_160 : memref<10240x16xf32, #tpu.memory_space<vmem_shared>>) offsets(%dma_start3A_157 : memref<125xi32, #tpu.memory_space<vmem>>) semaphore(%dma_start3A_162 : memref<!tpu.dma_semaphore, #tpu.memory_space<semaphore_mem>>) {add = true}
      %add3A_163 = arith.constant 2 : i32
      %add3A_164 = arith.addi %add3A_82, %add3A_163 : i32
      %dma_wait3A_165 = arith.constant 2 : i32
      %dma_wait3A_166 = arith.constant 2 : i32
      %dma_wait3A_167 = arith.constant 0 : i32
      %dma_wait3A_168 = arith.constant 0 : i32
      %dma_wait3A_169 = tpu.memref_slice %arg8[%dma_wait3A_165, %dma_wait3A_167, %dma_wait3A_168] : memref<4x125x16xf32, #tpu.memory_space<vmem>> -> memref<1x125x16xf32, #tpu.memory_space<vmem>>
      %dma_wait3A_170 = tpu.memref_squeeze %dma_wait3A_169 : memref<1x125x16xf32, #tpu.memory_space<vmem>> -> memref<125x16xf32, #tpu.memory_space<vmem>>
      %dma_wait3A_171 = arith.constant 0 : i32
      %dma_wait3A_172 = tpu.memref_slice %arg6[%add3A_164, %dma_wait3A_171] : memref<80x125xi32, #tpu.memory_space<vmem>> -> memref<1x125xi32, #tpu.memory_space<vmem>>
      %dma_wait3A_173 = tpu.memref_squeeze %dma_wait3A_172 : memref<1x125xi32, #tpu.memory_space<vmem>> -> memref<125xi32, #tpu.memory_space<vmem>>
      %dma_wait3A_174 = arith.constant 0 : i32
      %dma_wait3A_175 = arith.constant 0 : i32
      %dma_wait3A_176 = tpu.memref_slice %arg2[%dma_wait3A_174, %dma_wait3A_175] : memref<10000x16xf32, #tpu.memory_space<hbm>> -> memref<10000x16xf32, #tpu.memory_space<hbm>>
      %dma_wait3A_177 = tpu.memref_slice %arg11[%dma_wait3A_166] : memref<4x!tpu.dma_semaphore, #tpu.memory_space<semaphore_mem>> -> memref<1x!tpu.dma_semaphore, #tpu.memory_space<semaphore_mem>>
      %dma_wait3A_178 = tpu.memref_squeeze %dma_wait3A_177 : memref<1x!tpu.dma_semaphore, #tpu.memory_space<semaphore_mem>> -> memref<!tpu.dma_semaphore, #tpu.memory_space<semaphore_mem>>
      tpu.wait_indirect_dma semaphore(%dma_wait3A_178 : memref<!tpu.dma_semaphore, #tpu.memory_space<semaphore_mem>>) src(%dma_wait3A_176 : memref<10000x16xf32, #tpu.memory_space<hbm>>) dst(%dma_wait3A_170 : memref<125x16xf32, #tpu.memory_space<vmem>>)
      %ge3A_179 = arith.constant 2 : i32
      %ge3A_180 = arith.cmpi sge, %add3A_164, %ge3A_179 : i32
      %convert_element_type3A_181 = arith.extui %ge3A_180 : i1 to i32
      %cond3A_182 = arith.constant 0 : i32
      %cond3A_183 = arith.cmpi ne, %convert_element_type3A_181, %cond3A_182 : i32
      scf.if %cond3A_183 {
        %dma_wait3A_247 = arith.constant 0 : i32
        %dma_wait3A_248 = arith.constant 0 : i32
        %dma_wait3A_249 = arith.constant 0 : i32
        %dma_wait3A_250 = arith.constant 0 : i32
        %dma_wait3A_251 = tpu.memref_slice %arg8[%dma_wait3A_247, %dma_wait3A_249, %dma_wait3A_250] : memref<4x125x16xf32, #tpu.memory_space<vmem>> -> memref<1x125x16xf32, #tpu.memory_space<vmem>>
        %dma_wait3A_252 = tpu.memref_squeeze %dma_wait3A_251 : memref<1x125x16xf32, #tpu.memory_space<vmem>> -> memref<125x16xf32, #tpu.memory_space<vmem>>
        %dma_wait3A_253 = arith.constant 0 : i32
        %dma_wait3A_254 = tpu.memref_slice %arg7[%add3A_164, %dma_wait3A_253] : memref<80x125xi32, #tpu.memory_space<vmem>> -> memref<1x125xi32, #tpu.memory_space<vmem>>
        %dma_wait3A_255 = tpu.memref_squeeze %dma_wait3A_254 : memref<1x125xi32, #tpu.memory_space<vmem>> -> memref<125xi32, #tpu.memory_space<vmem>>
        %dma_wait3A_256 = arith.constant 0 : i32
        %dma_wait3A_257 = arith.constant 0 : i32
        %dma_wait3A_258 = tpu.memref_slice %arg10[%dma_wait3A_256, %dma_wait3A_257] : memref<10240x16xf32, #tpu.memory_space<vmem_shared>> -> memref<10240x16xf32, #tpu.memory_space<vmem_shared>>
        %dma_wait3A_259 = tpu.memref_slice %arg12[%dma_wait3A_248] : memref<4x!tpu.dma_semaphore, #tpu.memory_space<semaphore_mem>> -> memref<1x!tpu.dma_semaphore, #tpu.memory_space<semaphore_mem>>
        %dma_wait3A_260 = tpu.memref_squeeze %dma_wait3A_259 : memref<1x!tpu.dma_semaphore, #tpu.memory_space<semaphore_mem>> -> memref<!tpu.dma_semaphore, #tpu.memory_space<semaphore_mem>>
        tpu.wait_indirect_dma semaphore(%dma_wait3A_260 : memref<!tpu.dma_semaphore, #tpu.memory_space<semaphore_mem>>) src(%dma_wait3A_252 : memref<125x16xf32, #tpu.memory_space<vmem>>) dst(%dma_wait3A_258 : memref<10240x16xf32, #tpu.memory_space<vmem_shared>>)
      } else {
      }
      %add3A_184 = arith.constant 2 : i32
      %add3A_185 = arith.addi %add3A_164, %add3A_184 : i32
      %lt3A_186 = arith.constant 80 : i32
      %lt3A_187 = arith.cmpi slt, %add3A_185, %lt3A_186 : i32
      %convert_element_type3A_188 = arith.extui %lt3A_187 : i1 to i32
      %cond3A_189 = arith.constant 0 : i32
      %cond3A_190 = arith.cmpi ne, %convert_element_type3A_188, %cond3A_189 : i32
      scf.if %cond3A_190 {
        %add3A_247 = arith.constant 2 : i32
        %add3A_248 = arith.addi %add3A_164, %add3A_247 : i32
        %dma_start3A_249 = arith.constant 0 : i32
        %dma_start3A_250 = arith.constant 0 : i32
        %dma_start3A_251 = arith.constant 0 : i32
        %dma_start3A_252 = arith.constant 0 : i32
        %dma_start3A_253 = tpu.memref_slice %arg8[%dma_start3A_249, %dma_start3A_251, %dma_start3A_252] : memref<4x125x16xf32, #tpu.memory_space<vmem>> -> memref<1x125x16xf32, #tpu.memory_space<vmem>>
        %dma_start3A_254 = tpu.memref_squeeze %dma_start3A_253 : memref<1x125x16xf32, #tpu.memory_space<vmem>> -> memref<125x16xf32, #tpu.memory_space<vmem>>
        %dma_start3A_255 = arith.constant 0 : i32
        %dma_start3A_256 = tpu.memref_slice %arg6[%add3A_248, %dma_start3A_255] : memref<80x125xi32, #tpu.memory_space<vmem>> -> memref<1x125xi32, #tpu.memory_space<vmem>>
        %dma_start3A_257 = tpu.memref_squeeze %dma_start3A_256 : memref<1x125xi32, #tpu.memory_space<vmem>> -> memref<125xi32, #tpu.memory_space<vmem>>
        %dma_start3A_258 = arith.constant 0 : i32
        %dma_start3A_259 = arith.constant 0 : i32
        %dma_start3A_260 = tpu.memref_slice %arg2[%dma_start3A_258, %dma_start3A_259] : memref<10000x16xf32, #tpu.memory_space<hbm>> -> memref<10000x16xf32, #tpu.memory_space<hbm>>
        %dma_start3A_261 = tpu.memref_slice %arg11[%dma_start3A_250] : memref<4x!tpu.dma_semaphore, #tpu.memory_space<semaphore_mem>> -> memref<1x!tpu.dma_semaphore, #tpu.memory_space<semaphore_mem>>
        %dma_start3A_262 = tpu.memref_squeeze %dma_start3A_261 : memref<1x!tpu.dma_semaphore, #tpu.memory_space<semaphore_mem>> -> memref<!tpu.dma_semaphore, #tpu.memory_space<semaphore_mem>>
        tpu.enqueue_indirect_dma source(%dma_start3A_260 : memref<10000x16xf32, #tpu.memory_space<hbm>>) target(%dma_start3A_254 : memref<125x16xf32, #tpu.memory_space<vmem>>) offsets(%dma_start3A_257 : memref<125xi32, #tpu.memory_space<vmem>>) semaphore(%dma_start3A_262 : memref<!tpu.dma_semaphore, #tpu.memory_space<semaphore_mem>>)
      } else {
      }
      %dma_start3A_191 = arith.constant 2 : i32
      %dma_start3A_192 = arith.constant 2 : i32
      %dma_start3A_193 = arith.constant 0 : i32
      %dma_start3A_194 = arith.constant 0 : i32
      %dma_start3A_195 = tpu.memref_slice %arg8[%dma_start3A_191, %dma_start3A_193, %dma_start3A_194] : memref<4x125x16xf32, #tpu.memory_space<vmem>> -> memref<1x125x16xf32, #tpu.memory_space<vmem>>
      %dma_start3A_196 = tpu.memref_squeeze %dma_start3A_195 : memref<1x125x16xf32, #tpu.memory_space<vmem>> -> memref<125x16xf32, #tpu.memory_space<vmem>>
      %dma_start3A_197 = arith.constant 0 : i32
      %dma_start3A_198 = tpu.memref_slice %arg7[%add3A_164, %dma_start3A_197] : memref<80x125xi32, #tpu.memory_space<vmem>> -> memref<1x125xi32, #tpu.memory_space<vmem>>
      %dma_start3A_199 = tpu.memref_squeeze %dma_start3A_198 : memref<1x125xi32, #tpu.memory_space<vmem>> -> memref<125xi32, #tpu.memory_space<vmem>>
      %dma_start3A_200 = arith.constant 0 : i32
      %dma_start3A_201 = arith.constant 0 : i32
      %dma_start3A_202 = tpu.memref_slice %arg10[%dma_start3A_200, %dma_start3A_201] : memref<10240x16xf32, #tpu.memory_space<vmem_shared>> -> memref<10240x16xf32, #tpu.memory_space<vmem_shared>>
      %dma_start3A_203 = tpu.memref_slice %arg12[%dma_start3A_192] : memref<4x!tpu.dma_semaphore, #tpu.memory_space<semaphore_mem>> -> memref<1x!tpu.dma_semaphore, #tpu.memory_space<semaphore_mem>>
      %dma_start3A_204 = tpu.memref_squeeze %dma_start3A_203 : memref<1x!tpu.dma_semaphore, #tpu.memory_space<semaphore_mem>> -> memref<!tpu.dma_semaphore, #tpu.memory_space<semaphore_mem>>
      tpu.enqueue_indirect_dma source(%dma_start3A_196 : memref<125x16xf32, #tpu.memory_space<vmem>>) target(%dma_start3A_202 : memref<10240x16xf32, #tpu.memory_space<vmem_shared>>) offsets(%dma_start3A_199 : memref<125xi32, #tpu.memory_space<vmem>>) semaphore(%dma_start3A_204 : memref<!tpu.dma_semaphore, #tpu.memory_space<semaphore_mem>>) {add = true}
      %add3A_205 = arith.constant 3 : i32
      %add3A_206 = arith.addi %add3A_82, %add3A_205 : i32
      %dma_wait3A_207 = arith.constant 3 : i32
      %dma_wait3A_208 = arith.constant 3 : i32
      %dma_wait3A_209 = arith.constant 0 : i32
      %dma_wait3A_210 = arith.constant 0 : i32
      %dma_wait3A_211 = tpu.memref_slice %arg8[%dma_wait3A_207, %dma_wait3A_209, %dma_wait3A_210] : memref<4x125x16xf32, #tpu.memory_space<vmem>> -> memref<1x125x16xf32, #tpu.memory_space<vmem>>
      %dma_wait3A_212 = tpu.memref_squeeze %dma_wait3A_211 : memref<1x125x16xf32, #tpu.memory_space<vmem>> -> memref<125x16xf32, #tpu.memory_space<vmem>>
      %dma_wait3A_213 = arith.constant 0 : i32
      %dma_wait3A_214 = tpu.memref_slice %arg6[%add3A_206, %dma_wait3A_213] : memref<80x125xi32, #tpu.memory_space<vmem>> -> memref<1x125xi32, #tpu.memory_space<vmem>>
      %dma_wait3A_215 = tpu.memref_squeeze %dma_wait3A_214 : memref<1x125xi32, #tpu.memory_space<vmem>> -> memref<125xi32, #tpu.memory_space<vmem>>
      %dma_wait3A_216 = arith.constant 0 : i32
      %dma_wait3A_217 = arith.constant 0 : i32
      %dma_wait3A_218 = tpu.memref_slice %arg2[%dma_wait3A_216, %dma_wait3A_217] : memref<10000x16xf32, #tpu.memory_space<hbm>> -> memref<10000x16xf32, #tpu.memory_space<hbm>>
      %dma_wait3A_219 = tpu.memref_slice %arg11[%dma_wait3A_208] : memref<4x!tpu.dma_semaphore, #tpu.memory_space<semaphore_mem>> -> memref<1x!tpu.dma_semaphore, #tpu.memory_space<semaphore_mem>>
      %dma_wait3A_220 = tpu.memref_squeeze %dma_wait3A_219 : memref<1x!tpu.dma_semaphore, #tpu.memory_space<semaphore_mem>> -> memref<!tpu.dma_semaphore, #tpu.memory_space<semaphore_mem>>
      tpu.wait_indirect_dma semaphore(%dma_wait3A_220 : memref<!tpu.dma_semaphore, #tpu.memory_space<semaphore_mem>>) src(%dma_wait3A_218 : memref<10000x16xf32, #tpu.memory_space<hbm>>) dst(%dma_wait3A_212 : memref<125x16xf32, #tpu.memory_space<vmem>>)
      %ge3A_221 = arith.constant 2 : i32
      %ge3A_222 = arith.cmpi sge, %add3A_206, %ge3A_221 : i32
      %convert_element_type3A_223 = arith.extui %ge3A_222 : i1 to i32
      %cond3A_224 = arith.constant 0 : i32
      %cond3A_225 = arith.cmpi ne, %convert_element_type3A_223, %cond3A_224 : i32
      scf.if %cond3A_225 {
        %dma_wait3A_247 = arith.constant 1 : i32
        %dma_wait3A_248 = arith.constant 1 : i32
        %dma_wait3A_249 = arith.constant 0 : i32
        %dma_wait3A_250 = arith.constant 0 : i32
        %dma_wait3A_251 = tpu.memref_slice %arg8[%dma_wait3A_247, %dma_wait3A_249, %dma_wait3A_250] : memref<4x125x16xf32, #tpu.memory_space<vmem>> -> memref<1x125x16xf32, #tpu.memory_space<vmem>>
        %dma_wait3A_252 = tpu.memref_squeeze %dma_wait3A_251 : memref<1x125x16xf32, #tpu.memory_space<vmem>> -> memref<125x16xf32, #tpu.memory_space<vmem>>
        %dma_wait3A_253 = arith.constant 0 : i32
        %dma_wait3A_254 = tpu.memref_slice %arg7[%add3A_206, %dma_wait3A_253] : memref<80x125xi32, #tpu.memory_space<vmem>> -> memref<1x125xi32, #tpu.memory_space<vmem>>
        %dma_wait3A_255 = tpu.memref_squeeze %dma_wait3A_254 : memref<1x125xi32, #tpu.memory_space<vmem>> -> memref<125xi32, #tpu.memory_space<vmem>>
        %dma_wait3A_256 = arith.constant 0 : i32
        %dma_wait3A_257 = arith.constant 0 : i32
        %dma_wait3A_258 = tpu.memref_slice %arg10[%dma_wait3A_256, %dma_wait3A_257] : memref<10240x16xf32, #tpu.memory_space<vmem_shared>> -> memref<10240x16xf32, #tpu.memory_space<vmem_shared>>
        %dma_wait3A_259 = tpu.memref_slice %arg12[%dma_wait3A_248] : memref<4x!tpu.dma_semaphore, #tpu.memory_space<semaphore_mem>> -> memref<1x!tpu.dma_semaphore, #tpu.memory_space<semaphore_mem>>
        %dma_wait3A_260 = tpu.memref_squeeze %dma_wait3A_259 : memref<1x!tpu.dma_semaphore, #tpu.memory_space<semaphore_mem>> -> memref<!tpu.dma_semaphore, #tpu.memory_space<semaphore_mem>>
        tpu.wait_indirect_dma semaphore(%dma_wait3A_260 : memref<!tpu.dma_semaphore, #tpu.memory_space<semaphore_mem>>) src(%dma_wait3A_252 : memref<125x16xf32, #tpu.memory_space<vmem>>) dst(%dma_wait3A_258 : memref<10240x16xf32, #tpu.memory_space<vmem_shared>>)
      } else {
      }
      %add3A_226 = arith.constant 2 : i32
      %add3A_227 = arith.addi %add3A_206, %add3A_226 : i32
      %lt3A_228 = arith.constant 80 : i32
      %lt3A_229 = arith.cmpi slt, %add3A_227, %lt3A_228 : i32
      %convert_element_type3A_230 = arith.extui %lt3A_229 : i1 to i32
      %cond3A_231 = arith.constant 0 : i32
      %cond3A_232 = arith.cmpi ne, %convert_element_type3A_230, %cond3A_231 : i32
      scf.if %cond3A_232 {
        %add3A_247 = arith.constant 2 : i32
        %add3A_248 = arith.addi %add3A_206, %add3A_247 : i32
        %dma_start3A_249 = arith.constant 1 : i32
        %dma_start3A_250 = arith.constant 1 : i32
        %dma_start3A_251 = arith.constant 0 : i32
        %dma_start3A_252 = arith.constant 0 : i32
        %dma_start3A_253 = tpu.memref_slice %arg8[%dma_start3A_249, %dma_start3A_251, %dma_start3A_252] : memref<4x125x16xf32, #tpu.memory_space<vmem>> -> memref<1x125x16xf32, #tpu.memory_space<vmem>>
        %dma_start3A_254 = tpu.memref_squeeze %dma_start3A_253 : memref<1x125x16xf32, #tpu.memory_space<vmem>> -> memref<125x16xf32, #tpu.memory_space<vmem>>
        %dma_start3A_255 = arith.constant 0 : i32
        %dma_start3A_256 = tpu.memref_slice %arg6[%add3A_248, %dma_start3A_255] : memref<80x125xi32, #tpu.memory_space<vmem>> -> memref<1x125xi32, #tpu.memory_space<vmem>>
        %dma_start3A_257 = tpu.memref_squeeze %dma_start3A_256 : memref<1x125xi32, #tpu.memory_space<vmem>> -> memref<125xi32, #tpu.memory_space<vmem>>
        %dma_start3A_258 = arith.constant 0 : i32
        %dma_start3A_259 = arith.constant 0 : i32
        %dma_start3A_260 = tpu.memref_slice %arg2[%dma_start3A_258, %dma_start3A_259] : memref<10000x16xf32, #tpu.memory_space<hbm>> -> memref<10000x16xf32, #tpu.memory_space<hbm>>
        %dma_start3A_261 = tpu.memref_slice %arg11[%dma_start3A_250] : memref<4x!tpu.dma_semaphore, #tpu.memory_space<semaphore_mem>> -> memref<1x!tpu.dma_semaphore, #tpu.memory_space<semaphore_mem>>
        %dma_start3A_262 = tpu.memref_squeeze %dma_start3A_261 : memref<1x!tpu.dma_semaphore, #tpu.memory_space<semaphore_mem>> -> memref<!tpu.dma_semaphore, #tpu.memory_space<semaphore_mem>>
        tpu.enqueue_indirect_dma source(%dma_start3A_260 : memref<10000x16xf32, #tpu.memory_space<hbm>>) target(%dma_start3A_254 : memref<125x16xf32, #tpu.memory_space<vmem>>) offsets(%dma_start3A_257 : memref<125xi32, #tpu.memory_space<vmem>>) semaphore(%dma_start3A_262 : memref<!tpu.dma_semaphore, #tpu.memory_space<semaphore_mem>>)
      } else {
      }
      %dma_start3A_233 = arith.constant 3 : i32
      %dma_start3A_234 = arith.constant 3 : i32
      %dma_start3A_235 = arith.constant 0 : i32
      %dma_start3A_236 = arith.constant 0 : i32
      %dma_start3A_237 = tpu.memref_slice %arg8[%dma_start3A_233, %dma_start3A_235, %dma_start3A_236] : memref<4x125x16xf32, #tpu.memory_space<vmem>> -> memref<1x125x16xf32, #tpu.memory_space<vmem>>
      %dma_start3A_238 = tpu.memref_squeeze %dma_start3A_237 : memref<1x125x16xf32, #tpu.memory_space<vmem>> -> memref<125x16xf32, #tpu.memory_space<vmem>>
      %dma_start3A_239 = arith.constant 0 : i32
      %dma_start3A_240 = tpu.memref_slice %arg7[%add3A_206, %dma_start3A_239] : memref<80x125xi32, #tpu.memory_space<vmem>> -> memref<1x125xi32, #tpu.memory_space<vmem>>
      %dma_start3A_241 = tpu.memref_squeeze %dma_start3A_240 : memref<1x125xi32, #tpu.memory_space<vmem>> -> memref<125xi32, #tpu.memory_space<vmem>>
      %dma_start3A_242 = arith.constant 0 : i32
      %dma_start3A_243 = arith.constant 0 : i32
      %dma_start3A_244 = tpu.memref_slice %arg10[%dma_start3A_242, %dma_start3A_243] : memref<10240x16xf32, #tpu.memory_space<vmem_shared>> -> memref<10240x16xf32, #tpu.memory_space<vmem_shared>>
      %dma_start3A_245 = tpu.memref_slice %arg12[%dma_start3A_234] : memref<4x!tpu.dma_semaphore, #tpu.memory_space<semaphore_mem>> -> memref<1x!tpu.dma_semaphore, #tpu.memory_space<semaphore_mem>>
      %dma_start3A_246 = tpu.memref_squeeze %dma_start3A_245 : memref<1x!tpu.dma_semaphore, #tpu.memory_space<semaphore_mem>> -> memref<!tpu.dma_semaphore, #tpu.memory_space<semaphore_mem>>
      tpu.enqueue_indirect_dma source(%dma_start3A_238 : memref<125x16xf32, #tpu.memory_space<vmem>>) target(%dma_start3A_244 : memref<10240x16xf32, #tpu.memory_space<vmem_shared>>) offsets(%dma_start3A_241 : memref<125xi32, #tpu.memory_space<vmem>>) semaphore(%dma_start3A_246 : memref<!tpu.dma_semaphore, #tpu.memory_space<semaphore_mem>>) {add = true}
    }
    %scan3A_41 = arith.constant 20 : i32
    %dma_wait3A = arith.constant 2 : i32
    %dma_wait3A_42 = arith.constant 78 : i32
    %dma_wait3A_43 = arith.constant 2 : i32
    %dma_wait3A_44 = arith.constant 0 : i32
    %dma_wait3A_45 = arith.constant 0 : i32
    %dma_wait3A_46 = tpu.memref_slice %arg8[%dma_wait3A, %dma_wait3A_44, %dma_wait3A_45] : memref<4x125x16xf32, #tpu.memory_space<vmem>> -> memref<1x125x16xf32, #tpu.memory_space<vmem>>
    %dma_wait3A_47 = tpu.memref_squeeze %dma_wait3A_46 : memref<1x125x16xf32, #tpu.memory_space<vmem>> -> memref<125x16xf32, #tpu.memory_space<vmem>>
    %dma_wait3A_48 = arith.constant 0 : i32
    %dma_wait3A_49 = tpu.memref_slice %arg7[%dma_wait3A_42, %dma_wait3A_48] : memref<80x125xi32, #tpu.memory_space<vmem>> -> memref<1x125xi32, #tpu.memory_space<vmem>>
    %dma_wait3A_50 = tpu.memref_squeeze %dma_wait3A_49 : memref<1x125xi32, #tpu.memory_space<vmem>> -> memref<125xi32, #tpu.memory_space<vmem>>
    %dma_wait3A_51 = arith.constant 0 : i32
    %dma_wait3A_52 = arith.constant 0 : i32
    %dma_wait3A_53 = tpu.memref_slice %arg10[%dma_wait3A_51, %dma_wait3A_52] : memref<10240x16xf32, #tpu.memory_space<vmem_shared>> -> memref<10240x16xf32, #tpu.memory_space<vmem_shared>>
    %dma_wait3A_54 = tpu.memref_slice %arg12[%dma_wait3A_43] : memref<4x!tpu.dma_semaphore, #tpu.memory_space<semaphore_mem>> -> memref<1x!tpu.dma_semaphore, #tpu.memory_space<semaphore_mem>>
    %dma_wait3A_55 = tpu.memref_squeeze %dma_wait3A_54 : memref<1x!tpu.dma_semaphore, #tpu.memory_space<semaphore_mem>> -> memref<!tpu.dma_semaphore, #tpu.memory_space<semaphore_mem>>
    tpu.wait_indirect_dma semaphore(%dma_wait3A_55 : memref<!tpu.dma_semaphore, #tpu.memory_space<semaphore_mem>>) src(%dma_wait3A_47 : memref<125x16xf32, #tpu.memory_space<vmem>>) dst(%dma_wait3A_53 : memref<10240x16xf32, #tpu.memory_space<vmem_shared>>)
    %dma_wait3A_56 = arith.constant 3 : i32
    %dma_wait3A_57 = arith.constant 79 : i32
    %dma_wait3A_58 = arith.constant 3 : i32
    %dma_wait3A_59 = arith.constant 0 : i32
    %dma_wait3A_60 = arith.constant 0 : i32
    %dma_wait3A_61 = tpu.memref_slice %arg8[%dma_wait3A_56, %dma_wait3A_59, %dma_wait3A_60] : memref<4x125x16xf32, #tpu.memory_space<vmem>> -> memref<1x125x16xf32, #tpu.memory_space<vmem>>
    %dma_wait3A_62 = tpu.memref_squeeze %dma_wait3A_61 : memref<1x125x16xf32, #tpu.memory_space<vmem>> -> memref<125x16xf32, #tpu.memory_space<vmem>>
    %dma_wait3A_63 = arith.constant 0 : i32
    %dma_wait3A_64 = tpu.memref_slice %arg7[%dma_wait3A_57, %dma_wait3A_63] : memref<80x125xi32, #tpu.memory_space<vmem>> -> memref<1x125xi32, #tpu.memory_space<vmem>>
    %dma_wait3A_65 = tpu.memref_squeeze %dma_wait3A_64 : memref<1x125xi32, #tpu.memory_space<vmem>> -> memref<125xi32, #tpu.memory_space<vmem>>
    %dma_wait3A_66 = arith.constant 0 : i32
    %dma_wait3A_67 = arith.constant 0 : i32
    %dma_wait3A_68 = tpu.memref_slice %arg10[%dma_wait3A_66, %dma_wait3A_67] : memref<10240x16xf32, #tpu.memory_space<vmem_shared>> -> memref<10240x16xf32, #tpu.memory_space<vmem_shared>>
    %dma_wait3A_69 = tpu.memref_slice %arg12[%dma_wait3A_58] : memref<4x!tpu.dma_semaphore, #tpu.memory_space<semaphore_mem>> -> memref<1x!tpu.dma_semaphore, #tpu.memory_space<semaphore_mem>>
    %dma_wait3A_70 = tpu.memref_squeeze %dma_wait3A_69 : memref<1x!tpu.dma_semaphore, #tpu.memory_space<semaphore_mem>> -> memref<!tpu.dma_semaphore, #tpu.memory_space<semaphore_mem>>
    tpu.wait_indirect_dma semaphore(%dma_wait3A_70 : memref<!tpu.dma_semaphore, #tpu.memory_space<semaphore_mem>>) src(%dma_wait3A_62 : memref<125x16xf32, #tpu.memory_space<vmem>>) dst(%dma_wait3A_68 : memref<10240x16xf32, #tpu.memory_space<vmem_shared>>)
    %barrier3A_71 = arith.constant 0 : index
    tpu.barrier barrier_id(%barrier3A_71)
    %mul3A_72 = arith.constant 640 : i32
    %mul3A_73 = arith.muli %arg1, %mul3A_72 : i32
    "tpu.region"() ({
      %run_scoped3A = tpu.sem_alloc : memref<!tpu.dma_semaphore, #tpu.memory_space<semaphore_mem>>
      %dma_start3A_78 = arith.constant 0 : i32
      %dma_start3A_79 = tpu.memref_slice %arg10[%mul3A_73, %dma_start3A_78] : memref<10240x16xf32, #tpu.memory_space<vmem_shared>> -> memref<640x16xf32, #tpu.memory_space<vmem_shared>>
      %dma_start3A_80 = arith.constant 0 : i32
      %dma_start3A_81 = tpu.memref_slice %arg10[%mul3A_73, %dma_start3A_80] : memref<10240x16xf32, #tpu.memory_space<vmem_shared>> -> memref<640x16xf32, #tpu.memory_space<vmem_shared>>
      tpu.enqueue_dma source(%dma_start3A_81 : memref<640x16xf32, #tpu.memory_space<vmem_shared>>) target(%arg9 : memref<640x16xf32, #tpu.memory_space<vmem>>) target_semaphore(%run_scoped3A : memref<!tpu.dma_semaphore, #tpu.memory_space<semaphore_mem>>)
      %dma_wait3A_82 = arith.constant 0 : i32
      %dma_wait3A_83 = tpu.memref_slice %arg10[%mul3A_73, %dma_wait3A_82] : memref<10240x16xf32, #tpu.memory_space<vmem_shared>> -> memref<640x16xf32, #tpu.memory_space<vmem_shared>>
      %dma_wait3A_84 = arith.constant 0 : i32
      %dma_wait3A_85 = tpu.memref_slice %arg10[%mul3A_73, %dma_wait3A_84] : memref<10240x16xf32, #tpu.memory_space<vmem_shared>> -> memref<640x16xf32, #tpu.memory_space<vmem_shared>>
      tpu.wait_dma2 semaphore(%run_scoped3A : memref<!tpu.dma_semaphore, #tpu.memory_space<semaphore_mem>>) src(%dma_wait3A_85 : memref<640x16xf32, #tpu.memory_space<vmem_shared>>) dst(%arg9 : memref<640x16xf32, #tpu.memory_space<vmem>>)
      tpu.yield
    }) : () -> ()
    %mul3A_74 = arith.constant 640 : i32
    %mul3A_75 = arith.muli %arg1, %mul3A_74 : i32
    %mul3A_76 = arith.constant 64 : i32
    %mul3A_77 = arith.muli %arg0, %mul3A_76 : i32
    "tpu.region"() ({
      %run_scoped3A = tpu.sem_alloc : memref<!tpu.dma_semaphore, #tpu.memory_space<semaphore_mem>>
      %dma_start3A_78 = tpu.memref_slice %arg5[%mul3A_75, %mul3A_77] : memref<10240x128xf32, #tpu.memory_space<hbm>> -> memref<640x16xf32, #tpu.memory_space<hbm>>
      %dma_start3A_79 = tpu.memref_slice %arg5[%mul3A_75, %mul3A_77] : memref<10240x128xf32, #tpu.memory_space<hbm>> -> memref<640x16xf32, #tpu.memory_space<hbm>>
      tpu.enqueue_dma source(%arg9 : memref<640x16xf32, #tpu.memory_space<vmem>>) target(%dma_start3A_79 : memref<640x16xf32, #tpu.memory_space<hbm>>) target_semaphore(%run_scoped3A : memref<!tpu.dma_semaphore, #tpu.memory_space<semaphore_mem>>)
      %dma_wait3A_80 = tpu.memref_slice %arg5[%mul3A_75, %mul3A_77] : memref<10240x128xf32, #tpu.memory_space<hbm>> -> memref<640x16xf32, #tpu.memory_space<hbm>>
      %dma_wait3A_81 = tpu.memref_slice %arg5[%mul3A_75, %mul3A_77] : memref<10240x128xf32, #tpu.memory_space<hbm>> -> memref<640x16xf32, #tpu.memory_space<hbm>>
      tpu.wait_dma2 semaphore(%run_scoped3A : memref<!tpu.dma_semaphore, #tpu.memory_space<semaphore_mem>>) src(%arg9 : memref<640x16xf32, #tpu.memory_space<vmem>>) dst(%dma_wait3A_81 : memref<640x16xf32, #tpu.memory_space<hbm>>)
      tpu.yield
    }) : () -> ()
    return
  }
}

#map = affine_map<(d0, d1) -> (0, 0)>
#map1 = affine_map<(d0, d1) -> (0, 0, 0)>
module attributes {stable_mosaic.version = 14 : i64} {
  func.func @agg(%arg0: i32, %arg1: i32, %arg2: memref<10000x64xf32, #tpu.memory_space<hbm>>, %arg3: memref<32x80x125xi32, #tpu.memory_space<hbm>>, %arg4: memref<32x80x125xi32, #tpu.memory_space<hbm>>, %arg5: memref<10240x128xf32, #tpu.memory_space<hbm>>, %arg6: memref<80x125xi32, #tpu.memory_space<vmem>>, %arg7: memref<80x125xi32, #tpu.memory_space<vmem>>, %arg8: memref<2x125x64xf32, #tpu.memory_space<vmem>>, %arg9: memref<640x64xf32, #tpu.memory_space<vmem>>, %arg10: memref<10240x64xf32, #tpu.memory_space<vmem_shared>>, %arg11: memref<2x!tpu.dma_semaphore, #tpu.memory_space<semaphore_mem>>, %arg12: memref<2x!tpu.dma_semaphore, #tpu.memory_space<semaphore_mem>>) attributes {dimension_semantics = [#tpu.dimension_semantics<core_parallel>, #tpu.dimension_semantics<subcore_parallel>], iteration_bounds = array<i64: 2, 16>, scalar_prefetch = 0 : i64, scratch_operands = 7 : i64, tpu.core_type = #tpu.core_type<sc_vector_subcore>, window_params = [{transform_indices = #map}, {transform_indices = #map1}, {transform_indices = #map1}, {transform_indices = #map}]} {
    %mul3A = arith.constant 16 : i32
    %mul3A_0 = arith.muli %arg0, %mul3A : i32
    %add3A = arith.addi %mul3A_0, %arg1 : i32
    %broadcast_in_dim3A = arith.constant 0.000000e+00 : f32
    %broadcast_in_dim3A_1 = vector.broadcast %broadcast_in_dim3A : f32 to vector<16xf32>
    %scan3A = arith.constant 0 : i32
    %scan3A_2 = arith.constant 640 : i32
    %scan3A_3 = arith.addi %scan3A, %scan3A_2 : i32
    %scan3A_4 = arith.constant 1 : i32
    scf.for %scan3A_49 = %scan3A to %scan3A_3 step %scan3A_4  : i32 {
      %mul3A_50 = arith.constant 1 : i32
      %mul3A_51 = arith.muli %scan3A_49, %mul3A_50 : i32
      %add3A_52 = arith.constant 0 : i32
      %add3A_53 = arith.addi %add3A_52, %mul3A_51 : i32
      %swap3A = arith.index_cast %add3A_53 : i32 to index
      %swap3A_54 = arith.constant 0 : index
      %swap3A_55 = tpu.vector_load %arg9[%swap3A, %swap3A_54] {strides = array<i32>} : memref<640x64xf32, #tpu.memory_space<vmem>>, vector<1x16xf32>,
      %swap3A_56 = vector.shape_cast %swap3A_55 : vector<1x16xf32> to vector<16xf32>
      %swap3A_57 = vector.shape_cast %broadcast_in_dim3A_1 : vector<16xf32> to vector<1x16xf32>
      tpu.vector_store %arg9[%swap3A, %swap3A_54], %swap3A_57 {strides = array<i32>} : memref<640x64xf32, #tpu.memory_space<vmem>>, vector<1x16xf32>,
      %swap3A_58 = arith.index_cast %add3A_53 : i32 to index
      %swap3A_59 = arith.constant 16 : index
      %swap3A_60 = tpu.vector_load %arg9[%swap3A_58, %swap3A_59] {strides = array<i32>} : memref<640x64xf32, #tpu.memory_space<vmem>>, vector<1x16xf32>,
      %swap3A_61 = vector.shape_cast %swap3A_60 : vector<1x16xf32> to vector<16xf32>
      %swap3A_62 = vector.shape_cast %broadcast_in_dim3A_1 : vector<16xf32> to vector<1x16xf32>
      tpu.vector_store %arg9[%swap3A_58, %swap3A_59], %swap3A_62 {strides = array<i32>} : memref<640x64xf32, #tpu.memory_space<vmem>>, vector<1x16xf32>,
      %swap3A_63 = arith.index_cast %add3A_53 : i32 to index
      %swap3A_64 = arith.constant 32 : index
      %swap3A_65 = tpu.vector_load %arg9[%swap3A_63, %swap3A_64] {strides = array<i32>} : memref<640x64xf32, #tpu.memory_space<vmem>>, vector<1x16xf32>,
      %swap3A_66 = vector.shape_cast %swap3A_65 : vector<1x16xf32> to vector<16xf32>
      %swap3A_67 = vector.shape_cast %broadcast_in_dim3A_1 : vector<16xf32> to vector<1x16xf32>
      tpu.vector_store %arg9[%swap3A_63, %swap3A_64], %swap3A_67 {strides = array<i32>} : memref<640x64xf32, #tpu.memory_space<vmem>>, vector<1x16xf32>,
      %swap3A_68 = arith.index_cast %add3A_53 : i32 to index
      %swap3A_69 = arith.constant 48 : index
      %swap3A_70 = tpu.vector_load %arg9[%swap3A_68, %swap3A_69] {strides = array<i32>} : memref<640x64xf32, #tpu.memory_space<vmem>>, vector<1x16xf32>,
      %swap3A_71 = vector.shape_cast %swap3A_70 : vector<1x16xf32> to vector<16xf32>
      %swap3A_72 = vector.shape_cast %broadcast_in_dim3A_1 : vector<16xf32> to vector<1x16xf32>
      tpu.vector_store %arg9[%swap3A_68, %swap3A_69], %swap3A_72 {strides = array<i32>} : memref<640x64xf32, #tpu.memory_space<vmem>>, vector<1x16xf32>,
    }
    %scan3A_5 = arith.constant 640 : i32
    %mul3A_6 = arith.constant 640 : i32
    %mul3A_7 = arith.muli %arg1, %mul3A_6 : i32
    "tpu.region"() ({
      %run_scoped3A = tpu.sem_alloc : memref<!tpu.dma_semaphore, #tpu.memory_space<semaphore_mem>>
      %dma_start3A_49 = arith.constant 0 : i32
      %dma_start3A_50 = tpu.memref_slice %arg10[%mul3A_7, %dma_start3A_49] : memref<10240x64xf32, #tpu.memory_space<vmem_shared>> -> memref<640x64xf32, #tpu.memory_space<vmem_shared>>
      %dma_start3A_51 = arith.constant 0 : i32
      %dma_start3A_52 = tpu.memref_slice %arg10[%mul3A_7, %dma_start3A_51] : memref<10240x64xf32, #tpu.memory_space<vmem_shared>> -> memref<640x64xf32, #tpu.memory_space<vmem_shared>>
      tpu.enqueue_dma source(%arg9 : memref<640x64xf32, #tpu.memory_space<vmem>>) target(%dma_start3A_52 : memref<640x64xf32, #tpu.memory_space<vmem_shared>>) target_semaphore(%run_scoped3A : memref<!tpu.dma_semaphore, #tpu.memory_space<semaphore_mem>>)
      %dma_wait3A = arith.constant 0 : i32
      %dma_wait3A_53 = tpu.memref_slice %arg10[%mul3A_7, %dma_wait3A] : memref<10240x64xf32, #tpu.memory_space<vmem_shared>> -> memref<640x64xf32, #tpu.memory_space<vmem_shared>>
      %dma_wait3A_54 = arith.constant 0 : i32
      %dma_wait3A_55 = tpu.memref_slice %arg10[%mul3A_7, %dma_wait3A_54] : memref<10240x64xf32, #tpu.memory_space<vmem_shared>> -> memref<640x64xf32, #tpu.memory_space<vmem_shared>>
      tpu.wait_dma2 semaphore(%run_scoped3A : memref<!tpu.dma_semaphore, #tpu.memory_space<semaphore_mem>>) src(%arg9 : memref<640x64xf32, #tpu.memory_space<vmem>>) dst(%dma_wait3A_55 : memref<640x64xf32, #tpu.memory_space<vmem_shared>>)
      tpu.yield
    }) : () -> ()
    "tpu.region"() ({
      %run_scoped3A = tpu.sem_alloc : memref<!tpu.dma_semaphore, #tpu.memory_space<semaphore_mem>>
      %dma_start3A_49 = arith.constant 0 : i32
      %dma_start3A_50 = arith.constant 0 : i32
      %dma_start3A_51 = tpu.memref_slice %arg3[%add3A, %dma_start3A_49, %dma_start3A_50] : memref<32x80x125xi32, #tpu.memory_space<hbm>> -> memref<1x80x125xi32, #tpu.memory_space<hbm>>
      %dma_start3A_52 = tpu.memref_squeeze %dma_start3A_51 : memref<1x80x125xi32, #tpu.memory_space<hbm>> -> memref<80x125xi32, #tpu.memory_space<hbm>>
      %dma_start3A_53 = arith.constant 0 : i32
      %dma_start3A_54 = arith.constant 0 : i32
      %dma_start3A_55 = tpu.memref_slice %arg3[%add3A, %dma_start3A_53, %dma_start3A_54] : memref<32x80x125xi32, #tpu.memory_space<hbm>> -> memref<1x80x125xi32, #tpu.memory_space<hbm>>
      %dma_start3A_56 = tpu.memref_squeeze %dma_start3A_55 : memref<1x80x125xi32, #tpu.memory_space<hbm>> -> memref<80x125xi32, #tpu.memory_space<hbm>>
      tpu.enqueue_dma source(%dma_start3A_56 : memref<80x125xi32, #tpu.memory_space<hbm>>) target(%arg6 : memref<80x125xi32, #tpu.memory_space<vmem>>) target_semaphore(%run_scoped3A : memref<!tpu.dma_semaphore, #tpu.memory_space<semaphore_mem>>)
      %dma_wait3A = arith.constant 0 : i32
      %dma_wait3A_57 = arith.constant 0 : i32
      %dma_wait3A_58 = tpu.memref_slice %arg3[%add3A, %dma_wait3A, %dma_wait3A_57] : memref<32x80x125xi32, #tpu.memory_space<hbm>> -> memref<1x80x125xi32, #tpu.memory_space<hbm>>
      %dma_wait3A_59 = tpu.memref_squeeze %dma_wait3A_58 : memref<1x80x125xi32, #tpu.memory_space<hbm>> -> memref<80x125xi32, #tpu.memory_space<hbm>>
      %dma_wait3A_60 = arith.constant 0 : i32
      %dma_wait3A_61 = arith.constant 0 : i32
      %dma_wait3A_62 = tpu.memref_slice %arg3[%add3A, %dma_wait3A_60, %dma_wait3A_61] : memref<32x80x125xi32, #tpu.memory_space<hbm>> -> memref<1x80x125xi32, #tpu.memory_space<hbm>>
      %dma_wait3A_63 = tpu.memref_squeeze %dma_wait3A_62 : memref<1x80x125xi32, #tpu.memory_space<hbm>> -> memref<80x125xi32, #tpu.memory_space<hbm>>
      tpu.wait_dma2 semaphore(%run_scoped3A : memref<!tpu.dma_semaphore, #tpu.memory_space<semaphore_mem>>) src(%dma_wait3A_63 : memref<80x125xi32, #tpu.memory_space<hbm>>) dst(%arg6 : memref<80x125xi32, #tpu.memory_space<vmem>>)
      tpu.yield
    }) : () -> ()
    "tpu.region"() ({
      %run_scoped3A = tpu.sem_alloc : memref<!tpu.dma_semaphore, #tpu.memory_space<semaphore_mem>>
      %dma_start3A_49 = arith.constant 0 : i32
      %dma_start3A_50 = arith.constant 0 : i32
      %dma_start3A_51 = tpu.memref_slice %arg4[%add3A, %dma_start3A_49, %dma_start3A_50] : memref<32x80x125xi32, #tpu.memory_space<hbm>> -> memref<1x80x125xi32, #tpu.memory_space<hbm>>
      %dma_start3A_52 = tpu.memref_squeeze %dma_start3A_51 : memref<1x80x125xi32, #tpu.memory_space<hbm>> -> memref<80x125xi32, #tpu.memory_space<hbm>>
      %dma_start3A_53 = arith.constant 0 : i32
      %dma_start3A_54 = arith.constant 0 : i32
      %dma_start3A_55 = tpu.memref_slice %arg4[%add3A, %dma_start3A_53, %dma_start3A_54] : memref<32x80x125xi32, #tpu.memory_space<hbm>> -> memref<1x80x125xi32, #tpu.memory_space<hbm>>
      %dma_start3A_56 = tpu.memref_squeeze %dma_start3A_55 : memref<1x80x125xi32, #tpu.memory_space<hbm>> -> memref<80x125xi32, #tpu.memory_space<hbm>>
      tpu.enqueue_dma source(%dma_start3A_56 : memref<80x125xi32, #tpu.memory_space<hbm>>) target(%arg7 : memref<80x125xi32, #tpu.memory_space<vmem>>) target_semaphore(%run_scoped3A : memref<!tpu.dma_semaphore, #tpu.memory_space<semaphore_mem>>)
      %dma_wait3A = arith.constant 0 : i32
      %dma_wait3A_57 = arith.constant 0 : i32
      %dma_wait3A_58 = tpu.memref_slice %arg4[%add3A, %dma_wait3A, %dma_wait3A_57] : memref<32x80x125xi32, #tpu.memory_space<hbm>> -> memref<1x80x125xi32, #tpu.memory_space<hbm>>
      %dma_wait3A_59 = tpu.memref_squeeze %dma_wait3A_58 : memref<1x80x125xi32, #tpu.memory_space<hbm>> -> memref<80x125xi32, #tpu.memory_space<hbm>>
      %dma_wait3A_60 = arith.constant 0 : i32
      %dma_wait3A_61 = arith.constant 0 : i32
      %dma_wait3A_62 = tpu.memref_slice %arg4[%add3A, %dma_wait3A_60, %dma_wait3A_61] : memref<32x80x125xi32, #tpu.memory_space<hbm>> -> memref<1x80x125xi32, #tpu.memory_space<hbm>>
      %dma_wait3A_63 = tpu.memref_squeeze %dma_wait3A_62 : memref<1x80x125xi32, #tpu.memory_space<hbm>> -> memref<80x125xi32, #tpu.memory_space<hbm>>
      tpu.wait_dma2 semaphore(%run_scoped3A : memref<!tpu.dma_semaphore, #tpu.memory_space<semaphore_mem>>) src(%dma_wait3A_63 : memref<80x125xi32, #tpu.memory_space<hbm>>) dst(%arg7 : memref<80x125xi32, #tpu.memory_space<vmem>>)
      tpu.yield
    }) : () -> ()
    %barrier3A = arith.constant 0 : index
    tpu.barrier barrier_id(%barrier3A)
    %dma_start3A = arith.constant 0 : i32
    %dma_start3A_8 = arith.constant 0 : i32
    %dma_start3A_9 = arith.constant 0 : i32
    %dma_start3A_10 = arith.constant 0 : i32
    %dma_start3A_11 = arith.constant 0 : i32
    %dma_start3A_12 = tpu.memref_slice %arg8[%dma_start3A_8, %dma_start3A_10, %dma_start3A_11] : memref<2x125x64xf32, #tpu.memory_space<vmem>> -> memref<1x125x64xf32, #tpu.memory_space<vmem>>
    %dma_start3A_13 = tpu.memref_squeeze %dma_start3A_12 : memref<1x125x64xf32, #tpu.memory_space<vmem>> -> memref<125x64xf32, #tpu.memory_space<vmem>>
    %dma_start3A_14 = arith.constant 0 : i32
    %dma_start3A_15 = tpu.memref_slice %arg6[%dma_start3A, %dma_start3A_14] : memref<80x125xi32, #tpu.memory_space<vmem>> -> memref<1x125xi32, #tpu.memory_space<vmem>>
    %dma_start3A_16 = tpu.memref_squeeze %dma_start3A_15 : memref<1x125xi32, #tpu.memory_space<vmem>> -> memref<125xi32, #tpu.memory_space<vmem>>
    %dma_start3A_17 = arith.constant 0 : i32
    %dma_start3A_18 = arith.constant 0 : i32
    %dma_start3A_19 = tpu.memref_slice %arg2[%dma_start3A_17, %dma_start3A_18] : memref<10000x64xf32, #tpu.memory_space<hbm>> -> memref<10000x64xf32, #tpu.memory_space<hbm>>
    %dma_start3A_20 = tpu.memref_slice %arg11[%dma_start3A_9] : memref<2x!tpu.dma_semaphore, #tpu.memory_space<semaphore_mem>> -> memref<1x!tpu.dma_semaphore, #tpu.memory_space<semaphore_mem>>
    %dma_start3A_21 = tpu.memref_squeeze %dma_start3A_20 : memref<1x!tpu.dma_semaphore, #tpu.memory_space<semaphore_mem>> -> memref<!tpu.dma_semaphore, #tpu.memory_space<semaphore_mem>>
    tpu.enqueue_indirect_dma source(%dma_start3A_19 : memref<10000x64xf32, #tpu.memory_space<hbm>>) target(%dma_start3A_13 : memref<125x64xf32, #tpu.memory_space<vmem>>) offsets(%dma_start3A_16 : memref<125xi32, #tpu.memory_space<vmem>>) semaphore(%dma_start3A_21 : memref<!tpu.dma_semaphore, #tpu.memory_space<semaphore_mem>>)
    %dma_start3A_22 = arith.constant 1 : i32
    %dma_start3A_23 = arith.constant 1 : i32
    %dma_start3A_24 = arith.constant 1 : i32
    %dma_start3A_25 = arith.constant 0 : i32
    %dma_start3A_26 = arith.constant 0 : i32
    %dma_start3A_27 = tpu.memref_slice %arg8[%dma_start3A_23, %dma_start3A_25, %dma_start3A_26] : memref<2x125x64xf32, #tpu.memory_space<vmem>> -> memref<1x125x64xf32, #tpu.memory_space<vmem>>
    %dma_start3A_28 = tpu.memref_squeeze %dma_start3A_27 : memref<1x125x64xf32, #tpu.memory_space<vmem>> -> memref<125x64xf32, #tpu.memory_space<vmem>>
    %dma_start3A_29 = arith.constant 0 : i32
    %dma_start3A_30 = tpu.memref_slice %arg6[%dma_start3A_22, %dma_start3A_29] : memref<80x125xi32, #tpu.memory_space<vmem>> -> memref<1x125xi32, #tpu.memory_space<vmem>>
    %dma_start3A_31 = tpu.memref_squeeze %dma_start3A_30 : memref<1x125xi32, #tpu.memory_space<vmem>> -> memref<125xi32, #tpu.memory_space<vmem>>
    %dma_start3A_32 = arith.constant 0 : i32
    %dma_start3A_33 = arith.constant 0 : i32
    %dma_start3A_34 = tpu.memref_slice %arg2[%dma_start3A_32, %dma_start3A_33] : memref<10000x64xf32, #tpu.memory_space<hbm>> -> memref<10000x64xf32, #tpu.memory_space<hbm>>
    %dma_start3A_35 = tpu.memref_slice %arg11[%dma_start3A_24] : memref<2x!tpu.dma_semaphore, #tpu.memory_space<semaphore_mem>> -> memref<1x!tpu.dma_semaphore, #tpu.memory_space<semaphore_mem>>
    %dma_start3A_36 = tpu.memref_squeeze %dma_start3A_35 : memref<1x!tpu.dma_semaphore, #tpu.memory_space<semaphore_mem>> -> memref<!tpu.dma_semaphore, #tpu.memory_space<semaphore_mem>>
    tpu.enqueue_indirect_dma source(%dma_start3A_34 : memref<10000x64xf32, #tpu.memory_space<hbm>>) target(%dma_start3A_28 : memref<125x64xf32, #tpu.memory_space<vmem>>) offsets(%dma_start3A_31 : memref<125xi32, #tpu.memory_space<vmem>>) semaphore(%dma_start3A_36 : memref<!tpu.dma_semaphore, #tpu.memory_space<semaphore_mem>>)
    %scan3A_37 = arith.constant 0 : i32
    %scan3A_38 = arith.constant 40 : i32
    %scan3A_39 = arith.addi %scan3A_37, %scan3A_38 : i32
    %scan3A_40 = arith.constant 1 : i32
    scf.for %scan3A_49 = %scan3A_37 to %scan3A_39 step %scan3A_40  : i32 {
      %mul3A_50 = arith.constant 2 : i32
      %mul3A_51 = arith.muli %scan3A_49, %mul3A_50 : i32
      %add3A_52 = arith.constant 0 : i32
      %add3A_53 = arith.addi %add3A_52, %mul3A_51 : i32
      %add3A_54 = arith.constant 0 : i32
      %add3A_55 = arith.addi %add3A_53, %add3A_54 : i32
      %dma_wait3A = arith.constant 0 : i32
      %dma_wait3A_56 = arith.constant 0 : i32
      %dma_wait3A_57 = arith.constant 0 : i32
      %dma_wait3A_58 = arith.constant 0 : i32
      %dma_wait3A_59 = tpu.memref_slice %arg8[%dma_wait3A, %dma_wait3A_57, %dma_wait3A_58] : memref<2x125x64xf32, #tpu.memory_space<vmem>> -> memref<1x125x64xf32, #tpu.memory_space<vmem>>
      %dma_wait3A_60 = tpu.memref_squeeze %dma_wait3A_59 : memref<1x125x64xf32, #tpu.memory_space<vmem>> -> memref<125x64xf32, #tpu.memory_space<vmem>>
      %dma_wait3A_61 = arith.constant 0 : i32
      %dma_wait3A_62 = tpu.memref_slice %arg6[%add3A_55, %dma_wait3A_61] : memref<80x125xi32, #tpu.memory_space<vmem>> -> memref<1x125xi32, #tpu.memory_space<vmem>>
      %dma_wait3A_63 = tpu.memref_squeeze %dma_wait3A_62 : memref<1x125xi32, #tpu.memory_space<vmem>> -> memref<125xi32, #tpu.memory_space<vmem>>
      %dma_wait3A_64 = arith.constant 0 : i32
      %dma_wait3A_65 = arith.constant 0 : i32
      %dma_wait3A_66 = tpu.memref_slice %arg2[%dma_wait3A_64, %dma_wait3A_65] : memref<10000x64xf32, #tpu.memory_space<hbm>> -> memref<10000x64xf32, #tpu.memory_space<hbm>>
      %dma_wait3A_67 = tpu.memref_slice %arg11[%dma_wait3A_56] : memref<2x!tpu.dma_semaphore, #tpu.memory_space<semaphore_mem>> -> memref<1x!tpu.dma_semaphore, #tpu.memory_space<semaphore_mem>>
      %dma_wait3A_68 = tpu.memref_squeeze %dma_wait3A_67 : memref<1x!tpu.dma_semaphore, #tpu.memory_space<semaphore_mem>> -> memref<!tpu.dma_semaphore, #tpu.memory_space<semaphore_mem>>
      tpu.wait_indirect_dma semaphore(%dma_wait3A_68 : memref<!tpu.dma_semaphore, #tpu.memory_space<semaphore_mem>>) src(%dma_wait3A_66 : memref<10000x64xf32, #tpu.memory_space<hbm>>) dst(%dma_wait3A_60 : memref<125x64xf32, #tpu.memory_space<vmem>>)
      %run_scoped3A = arith.constant 0 : i32
      "tpu.region"() ({
        %run_scoped3A_97 = tpu.sem_alloc : memref<!tpu.dma_semaphore, #tpu.memory_space<semaphore_mem>>
        %dma_start3A_98 = arith.constant 0 : i32
        %dma_start3A_99 = arith.constant 0 : i32
        %dma_start3A_100 = tpu.memref_slice %arg8[%run_scoped3A, %dma_start3A_98, %dma_start3A_99] : memref<2x125x64xf32, #tpu.memory_space<vmem>> -> memref<1x125x64xf32, #tpu.memory_space<vmem>>
        %dma_start3A_101 = tpu.memref_squeeze %dma_start3A_100 : memref<1x125x64xf32, #tpu.memory_space<vmem>> -> memref<125x64xf32, #tpu.memory_space<vmem>>
        %dma_start3A_102 = arith.constant 0 : i32
        %dma_start3A_103 = tpu.memref_slice %arg7[%add3A_55, %dma_start3A_102] : memref<80x125xi32, #tpu.memory_space<vmem>> -> memref<1x125xi32, #tpu.memory_space<vmem>>
        %dma_start3A_104 = tpu.memref_squeeze %dma_start3A_103 : memref<1x125xi32, #tpu.memory_space<vmem>> -> memref<125xi32, #tpu.memory_space<vmem>>
        %dma_start3A_105 = arith.constant 0 : i32
        %dma_start3A_106 = arith.constant 0 : i32
        %dma_start3A_107 = tpu.memref_slice %arg10[%dma_start3A_105, %dma_start3A_106] : memref<10240x64xf32, #tpu.memory_space<vmem_shared>> -> memref<10240x64xf32, #tpu.memory_space<vmem_shared>>
        tpu.enqueue_indirect_dma source(%dma_start3A_101 : memref<125x64xf32, #tpu.memory_space<vmem>>) target(%dma_start3A_107 : memref<10240x64xf32, #tpu.memory_space<vmem_shared>>) offsets(%dma_start3A_104 : memref<125xi32, #tpu.memory_space<vmem>>) semaphore(%run_scoped3A_97 : memref<!tpu.dma_semaphore, #tpu.memory_space<semaphore_mem>>) {add = true}
        %dma_wait3A_108 = arith.constant 0 : i32
        %dma_wait3A_109 = arith.constant 0 : i32
        %dma_wait3A_110 = tpu.memref_slice %arg8[%run_scoped3A, %dma_wait3A_108, %dma_wait3A_109] : memref<2x125x64xf32, #tpu.memory_space<vmem>> -> memref<1x125x64xf32, #tpu.memory_space<vmem>>
        %dma_wait3A_111 = tpu.memref_squeeze %dma_wait3A_110 : memref<1x125x64xf32, #tpu.memory_space<vmem>> -> memref<125x64xf32, #tpu.memory_space<vmem>>
        %dma_wait3A_112 = arith.constant 0 : i32
        %dma_wait3A_113 = tpu.memref_slice %arg7[%add3A_55, %dma_wait3A_112] : memref<80x125xi32, #tpu.memory_space<vmem>> -> memref<1x125xi32, #tpu.memory_space<vmem>>
        %dma_wait3A_114 = tpu.memref_squeeze %dma_wait3A_113 : memref<1x125xi32, #tpu.memory_space<vmem>> -> memref<125xi32, #tpu.memory_space<vmem>>
        %dma_wait3A_115 = arith.constant 0 : i32
        %dma_wait3A_116 = arith.constant 0 : i32
        %dma_wait3A_117 = tpu.memref_slice %arg10[%dma_wait3A_115, %dma_wait3A_116] : memref<10240x64xf32, #tpu.memory_space<vmem_shared>> -> memref<10240x64xf32, #tpu.memory_space<vmem_shared>>
        tpu.wait_indirect_dma semaphore(%run_scoped3A_97 : memref<!tpu.dma_semaphore, #tpu.memory_space<semaphore_mem>>) src(%dma_wait3A_111 : memref<125x64xf32, #tpu.memory_space<vmem>>) dst(%dma_wait3A_117 : memref<10240x64xf32, #tpu.memory_space<vmem_shared>>)
        tpu.yield
      }) : () -> ()
      %add3A_69 = arith.constant 2 : i32
      %add3A_70 = arith.addi %add3A_55, %add3A_69 : i32
      %lt3A = arith.constant 80 : i32
      %lt3A_71 = arith.cmpi slt, %add3A_70, %lt3A : i32
      %convert_element_type3A = arith.extui %lt3A_71 : i1 to i32
      %cond3A = arith.constant 0 : i32
      %cond3A_72 = arith.cmpi ne, %convert_element_type3A, %cond3A : i32
      scf.if %cond3A_72 {
        %add3A_97 = arith.constant 2 : i32
        %add3A_98 = arith.addi %add3A_55, %add3A_97 : i32
        %dma_start3A_99 = arith.constant 0 : i32
        %dma_start3A_100 = arith.constant 0 : i32
        %dma_start3A_101 = arith.constant 0 : i32
        %dma_start3A_102 = arith.constant 0 : i32
        %dma_start3A_103 = tpu.memref_slice %arg8[%dma_start3A_99, %dma_start3A_101, %dma_start3A_102] : memref<2x125x64xf32, #tpu.memory_space<vmem>> -> memref<1x125x64xf32, #tpu.memory_space<vmem>>
        %dma_start3A_104 = tpu.memref_squeeze %dma_start3A_103 : memref<1x125x64xf32, #tpu.memory_space<vmem>> -> memref<125x64xf32, #tpu.memory_space<vmem>>
        %dma_start3A_105 = arith.constant 0 : i32
        %dma_start3A_106 = tpu.memref_slice %arg6[%add3A_98, %dma_start3A_105] : memref<80x125xi32, #tpu.memory_space<vmem>> -> memref<1x125xi32, #tpu.memory_space<vmem>>
        %dma_start3A_107 = tpu.memref_squeeze %dma_start3A_106 : memref<1x125xi32, #tpu.memory_space<vmem>> -> memref<125xi32, #tpu.memory_space<vmem>>
        %dma_start3A_108 = arith.constant 0 : i32
        %dma_start3A_109 = arith.constant 0 : i32
        %dma_start3A_110 = tpu.memref_slice %arg2[%dma_start3A_108, %dma_start3A_109] : memref<10000x64xf32, #tpu.memory_space<hbm>> -> memref<10000x64xf32, #tpu.memory_space<hbm>>
        %dma_start3A_111 = tpu.memref_slice %arg11[%dma_start3A_100] : memref<2x!tpu.dma_semaphore, #tpu.memory_space<semaphore_mem>> -> memref<1x!tpu.dma_semaphore, #tpu.memory_space<semaphore_mem>>
        %dma_start3A_112 = tpu.memref_squeeze %dma_start3A_111 : memref<1x!tpu.dma_semaphore, #tpu.memory_space<semaphore_mem>> -> memref<!tpu.dma_semaphore, #tpu.memory_space<semaphore_mem>>
        tpu.enqueue_indirect_dma source(%dma_start3A_110 : memref<10000x64xf32, #tpu.memory_space<hbm>>) target(%dma_start3A_104 : memref<125x64xf32, #tpu.memory_space<vmem>>) offsets(%dma_start3A_107 : memref<125xi32, #tpu.memory_space<vmem>>) semaphore(%dma_start3A_112 : memref<!tpu.dma_semaphore, #tpu.memory_space<semaphore_mem>>)
      } else {
      }
      %add3A_73 = arith.constant 1 : i32
      %add3A_74 = arith.addi %add3A_53, %add3A_73 : i32
      %dma_wait3A_75 = arith.constant 1 : i32
      %dma_wait3A_76 = arith.constant 1 : i32
      %dma_wait3A_77 = arith.constant 0 : i32
      %dma_wait3A_78 = arith.constant 0 : i32
      %dma_wait3A_79 = tpu.memref_slice %arg8[%dma_wait3A_75, %dma_wait3A_77, %dma_wait3A_78] : memref<2x125x64xf32, #tpu.memory_space<vmem>> -> memref<1x125x64xf32, #tpu.memory_space<vmem>>
      %dma_wait3A_80 = tpu.memref_squeeze %dma_wait3A_79 : memref<1x125x64xf32, #tpu.memory_space<vmem>> -> memref<125x64xf32, #tpu.memory_space<vmem>>
      %dma_wait3A_81 = arith.constant 0 : i32
      %dma_wait3A_82 = tpu.memref_slice %arg6[%add3A_74, %dma_wait3A_81] : memref<80x125xi32, #tpu.memory_space<vmem>> -> memref<1x125xi32, #tpu.memory_space<vmem>>
      %dma_wait3A_83 = tpu.memref_squeeze %dma_wait3A_82 : memref<1x125xi32, #tpu.memory_space<vmem>> -> memref<125xi32, #tpu.memory_space<vmem>>
      %dma_wait3A_84 = arith.constant 0 : i32
      %dma_wait3A_85 = arith.constant 0 : i32
      %dma_wait3A_86 = tpu.memref_slice %arg2[%dma_wait3A_84, %dma_wait3A_85] : memref<10000x64xf32, #tpu.memory_space<hbm>> -> memref<10000x64xf32, #tpu.memory_space<hbm>>
      %dma_wait3A_87 = tpu.memref_slice %arg11[%dma_wait3A_76] : memref<2x!tpu.dma_semaphore, #tpu.memory_space<semaphore_mem>> -> memref<1x!tpu.dma_semaphore, #tpu.memory_space<semaphore_mem>>
      %dma_wait3A_88 = tpu.memref_squeeze %dma_wait3A_87 : memref<1x!tpu.dma_semaphore, #tpu.memory_space<semaphore_mem>> -> memref<!tpu.dma_semaphore, #tpu.memory_space<semaphore_mem>>
      tpu.wait_indirect_dma semaphore(%dma_wait3A_88 : memref<!tpu.dma_semaphore, #tpu.memory_space<semaphore_mem>>) src(%dma_wait3A_86 : memref<10000x64xf32, #tpu.memory_space<hbm>>) dst(%dma_wait3A_80 : memref<125x64xf32, #tpu.memory_space<vmem>>)
      %run_scoped3A_89 = arith.constant 1 : i32
      "tpu.region"() ({
        %run_scoped3A_97 = tpu.sem_alloc : memref<!tpu.dma_semaphore, #tpu.memory_space<semaphore_mem>>
        %dma_start3A_98 = arith.constant 0 : i32
        %dma_start3A_99 = arith.constant 0 : i32
        %dma_start3A_100 = tpu.memref_slice %arg8[%run_scoped3A_89, %dma_start3A_98, %dma_start3A_99] : memref<2x125x64xf32, #tpu.memory_space<vmem>> -> memref<1x125x64xf32, #tpu.memory_space<vmem>>
        %dma_start3A_101 = tpu.memref_squeeze %dma_start3A_100 : memref<1x125x64xf32, #tpu.memory_space<vmem>> -> memref<125x64xf32, #tpu.memory_space<vmem>>
        %dma_start3A_102 = arith.constant 0 : i32
        %dma_start3A_103 = tpu.memref_slice %arg7[%add3A_74, %dma_start3A_102] : memref<80x125xi32, #tpu.memory_space<vmem>> -> memref<1x125xi32, #tpu.memory_space<vmem>>
        %dma_start3A_104 = tpu.memref_squeeze %dma_start3A_103 : memref<1x125xi32, #tpu.memory_space<vmem>> -> memref<125xi32, #tpu.memory_space<vmem>>
        %dma_start3A_105 = arith.constant 0 : i32
        %dma_start3A_106 = arith.constant 0 : i32
        %dma_start3A_107 = tpu.memref_slice %arg10[%dma_start3A_105, %dma_start3A_106] : memref<10240x64xf32, #tpu.memory_space<vmem_shared>> -> memref<10240x64xf32, #tpu.memory_space<vmem_shared>>
        tpu.enqueue_indirect_dma source(%dma_start3A_101 : memref<125x64xf32, #tpu.memory_space<vmem>>) target(%dma_start3A_107 : memref<10240x64xf32, #tpu.memory_space<vmem_shared>>) offsets(%dma_start3A_104 : memref<125xi32, #tpu.memory_space<vmem>>) semaphore(%run_scoped3A_97 : memref<!tpu.dma_semaphore, #tpu.memory_space<semaphore_mem>>) {add = true}
        %dma_wait3A_108 = arith.constant 0 : i32
        %dma_wait3A_109 = arith.constant 0 : i32
        %dma_wait3A_110 = tpu.memref_slice %arg8[%run_scoped3A_89, %dma_wait3A_108, %dma_wait3A_109] : memref<2x125x64xf32, #tpu.memory_space<vmem>> -> memref<1x125x64xf32, #tpu.memory_space<vmem>>
        %dma_wait3A_111 = tpu.memref_squeeze %dma_wait3A_110 : memref<1x125x64xf32, #tpu.memory_space<vmem>> -> memref<125x64xf32, #tpu.memory_space<vmem>>
        %dma_wait3A_112 = arith.constant 0 : i32
        %dma_wait3A_113 = tpu.memref_slice %arg7[%add3A_74, %dma_wait3A_112] : memref<80x125xi32, #tpu.memory_space<vmem>> -> memref<1x125xi32, #tpu.memory_space<vmem>>
        %dma_wait3A_114 = tpu.memref_squeeze %dma_wait3A_113 : memref<1x125xi32, #tpu.memory_space<vmem>> -> memref<125xi32, #tpu.memory_space<vmem>>
        %dma_wait3A_115 = arith.constant 0 : i32
        %dma_wait3A_116 = arith.constant 0 : i32
        %dma_wait3A_117 = tpu.memref_slice %arg10[%dma_wait3A_115, %dma_wait3A_116] : memref<10240x64xf32, #tpu.memory_space<vmem_shared>> -> memref<10240x64xf32, #tpu.memory_space<vmem_shared>>
        tpu.wait_indirect_dma semaphore(%run_scoped3A_97 : memref<!tpu.dma_semaphore, #tpu.memory_space<semaphore_mem>>) src(%dma_wait3A_111 : memref<125x64xf32, #tpu.memory_space<vmem>>) dst(%dma_wait3A_117 : memref<10240x64xf32, #tpu.memory_space<vmem_shared>>)
        tpu.yield
      }) : () -> ()
      %add3A_90 = arith.constant 2 : i32
      %add3A_91 = arith.addi %add3A_74, %add3A_90 : i32
      %lt3A_92 = arith.constant 80 : i32
      %lt3A_93 = arith.cmpi slt, %add3A_91, %lt3A_92 : i32
      %convert_element_type3A_94 = arith.extui %lt3A_93 : i1 to i32
      %cond3A_95 = arith.constant 0 : i32
      %cond3A_96 = arith.cmpi ne, %convert_element_type3A_94, %cond3A_95 : i32
      scf.if %cond3A_96 {
        %add3A_97 = arith.constant 2 : i32
        %add3A_98 = arith.addi %add3A_74, %add3A_97 : i32
        %dma_start3A_99 = arith.constant 1 : i32
        %dma_start3A_100 = arith.constant 1 : i32
        %dma_start3A_101 = arith.constant 0 : i32
        %dma_start3A_102 = arith.constant 0 : i32
        %dma_start3A_103 = tpu.memref_slice %arg8[%dma_start3A_99, %dma_start3A_101, %dma_start3A_102] : memref<2x125x64xf32, #tpu.memory_space<vmem>> -> memref<1x125x64xf32, #tpu.memory_space<vmem>>
        %dma_start3A_104 = tpu.memref_squeeze %dma_start3A_103 : memref<1x125x64xf32, #tpu.memory_space<vmem>> -> memref<125x64xf32, #tpu.memory_space<vmem>>
        %dma_start3A_105 = arith.constant 0 : i32
        %dma_start3A_106 = tpu.memref_slice %arg6[%add3A_98, %dma_start3A_105] : memref<80x125xi32, #tpu.memory_space<vmem>> -> memref<1x125xi32, #tpu.memory_space<vmem>>
        %dma_start3A_107 = tpu.memref_squeeze %dma_start3A_106 : memref<1x125xi32, #tpu.memory_space<vmem>> -> memref<125xi32, #tpu.memory_space<vmem>>
        %dma_start3A_108 = arith.constant 0 : i32
        %dma_start3A_109 = arith.constant 0 : i32
        %dma_start3A_110 = tpu.memref_slice %arg2[%dma_start3A_108, %dma_start3A_109] : memref<10000x64xf32, #tpu.memory_space<hbm>> -> memref<10000x64xf32, #tpu.memory_space<hbm>>
        %dma_start3A_111 = tpu.memref_slice %arg11[%dma_start3A_100] : memref<2x!tpu.dma_semaphore, #tpu.memory_space<semaphore_mem>> -> memref<1x!tpu.dma_semaphore, #tpu.memory_space<semaphore_mem>>
        %dma_start3A_112 = tpu.memref_squeeze %dma_start3A_111 : memref<1x!tpu.dma_semaphore, #tpu.memory_space<semaphore_mem>> -> memref<!tpu.dma_semaphore, #tpu.memory_space<semaphore_mem>>
        tpu.enqueue_indirect_dma source(%dma_start3A_110 : memref<10000x64xf32, #tpu.memory_space<hbm>>) target(%dma_start3A_104 : memref<125x64xf32, #tpu.memory_space<vmem>>) offsets(%dma_start3A_107 : memref<125xi32, #tpu.memory_space<vmem>>) semaphore(%dma_start3A_112 : memref<!tpu.dma_semaphore, #tpu.memory_space<semaphore_mem>>)
      } else {
      }
    }
    %scan3A_41 = arith.constant 40 : i32
    %barrier3A_42 = arith.constant 0 : index
    tpu.barrier barrier_id(%barrier3A_42)
    %mul3A_43 = arith.constant 640 : i32
    %mul3A_44 = arith.muli %arg1, %mul3A_43 : i32
    "tpu.region"() ({
      %run_scoped3A = tpu.sem_alloc : memref<!tpu.dma_semaphore, #tpu.memory_space<semaphore_mem>>
      %dma_start3A_49 = arith.constant 0 : i32
      %dma_start3A_50 = tpu.memref_slice %arg10[%mul3A_44, %dma_start3A_49] : memref<10240x64xf32, #tpu.memory_space<vmem_shared>> -> memref<640x64xf32, #tpu.memory_space<vmem_shared>>
      %dma_start3A_51 = arith.constant 0 : i32
      %dma_start3A_52 = tpu.memref_slice %arg10[%mul3A_44, %dma_start3A_51] : memref<10240x64xf32, #tpu.memory_space<vmem_shared>> -> memref<640x64xf32, #tpu.memory_space<vmem_shared>>
      tpu.enqueue_dma source(%dma_start3A_52 : memref<640x64xf32, #tpu.memory_space<vmem_shared>>) target(%arg9 : memref<640x64xf32, #tpu.memory_space<vmem>>) target_semaphore(%run_scoped3A : memref<!tpu.dma_semaphore, #tpu.memory_space<semaphore_mem>>)
      %dma_wait3A = arith.constant 0 : i32
      %dma_wait3A_53 = tpu.memref_slice %arg10[%mul3A_44, %dma_wait3A] : memref<10240x64xf32, #tpu.memory_space<vmem_shared>> -> memref<640x64xf32, #tpu.memory_space<vmem_shared>>
      %dma_wait3A_54 = arith.constant 0 : i32
      %dma_wait3A_55 = tpu.memref_slice %arg10[%mul3A_44, %dma_wait3A_54] : memref<10240x64xf32, #tpu.memory_space<vmem_shared>> -> memref<640x64xf32, #tpu.memory_space<vmem_shared>>
      tpu.wait_dma2 semaphore(%run_scoped3A : memref<!tpu.dma_semaphore, #tpu.memory_space<semaphore_mem>>) src(%dma_wait3A_55 : memref<640x64xf32, #tpu.memory_space<vmem_shared>>) dst(%arg9 : memref<640x64xf32, #tpu.memory_space<vmem>>)
      tpu.yield
    }) : () -> ()
    %mul3A_45 = arith.constant 640 : i32
    %mul3A_46 = arith.muli %arg1, %mul3A_45 : i32
    %mul3A_47 = arith.constant 64 : i32
    %mul3A_48 = arith.muli %arg0, %mul3A_47 : i32
    "tpu.region"() ({
      %run_scoped3A = tpu.sem_alloc : memref<!tpu.dma_semaphore, #tpu.memory_space<semaphore_mem>>
      %dma_start3A_49 = tpu.memref_slice %arg5[%mul3A_46, %mul3A_48] : memref<10240x128xf32, #tpu.memory_space<hbm>> -> memref<640x64xf32, #tpu.memory_space<hbm>>
      %dma_start3A_50 = tpu.memref_slice %arg5[%mul3A_46, %mul3A_48] : memref<10240x128xf32, #tpu.memory_space<hbm>> -> memref<640x64xf32, #tpu.memory_space<hbm>>
      tpu.enqueue_dma source(%arg9 : memref<640x64xf32, #tpu.memory_space<vmem>>) target(%dma_start3A_50 : memref<640x64xf32, #tpu.memory_space<hbm>>) target_semaphore(%run_scoped3A : memref<!tpu.dma_semaphore, #tpu.memory_space<semaphore_mem>>)
      %dma_wait3A = tpu.memref_slice %arg5[%mul3A_46, %mul3A_48] : memref<10240x128xf32, #tpu.memory_space<hbm>> -> memref<640x64xf32, #tpu.memory_space<hbm>>
      %dma_wait3A_51 = tpu.memref_slice %arg5[%mul3A_46, %mul3A_48] : memref<10240x128xf32, #tpu.memory_space<hbm>> -> memref<640x64xf32, #tpu.memory_space<hbm>>
      tpu.wait_dma2 semaphore(%run_scoped3A : memref<!tpu.dma_semaphore, #tpu.memory_space<semaphore_mem>>) src(%arg9 : memref<640x64xf32, #tpu.memory_space<vmem>>) dst(%dma_wait3A_51 : memref<640x64xf32, #tpu.memory_space<hbm>>)
      tpu.yield
    }) : () -> ()
    return
  }
}

module attributes {stable_mosaic.version = 14 : i64} {
  func.func @_tc1_body(%arg0: i32, %arg1: memref<5000x128xf32, #tpu.memory_space<vmem>>, %arg2: memref<128x64xf32, #tpu.memory_space<vmem>>, %arg3: memref<5000x128xf32, #tpu.memory_space<vmem>>, %arg4: memref<5000x64xf32, #tpu.memory_space<vmem>>) attributes {dimension_semantics = [#tpu.dimension_semantics<arbitrary>], iteration_bounds = array<i64: 2>, scalar_prefetch = 0 : i64, scratch_operands = 0 : i64, tpu.core_type = #tpu.core_type<tc>, window_params = [{transform_indices = @transform_0, window_bounds = array<i64: 5000, 128>}, {pipeline_mode = #tpu.pipeline_mode<synchronous>, transform_indices = @transform_1, window_bounds = array<i64: 128, 64>}, {transform_indices = @transform_2, window_bounds = array<i64: 5000, 128>}, {transform_indices = @transform_3, window_bounds = array<i64: 5000, 64>}]} {
    %get3A = arith.constant 0 : index
    %get3A_0 = arith.constant 0 : index
    %get3A_1 = vector.load %arg1[%get3A, %get3A_0] : memref<5000x128xf32, #tpu.memory_space<vmem>>, vector<5000x128xf32>
    %get3A_2 = arith.constant 0 : index
    %get3A_3 = arith.constant 0 : index
    %get3A_4 = vector.load %arg2[%get3A_2, %get3A_3] : memref<128x64xf32, #tpu.memory_space<vmem>>, vector<128x64xf32>
    %dot_general3A = arith.constant dense<0.000000e+00> : vector<5000x64xf32>
    %dot_general3A_5 = tpu.matmul %get3A_1, %get3A_4, %dot_general3A {dimension_numbers = #tpu.dot_dimension_numbers<[1], [0], [0], [1], [0, 0, 1, 1], [], []>, transpose_lhs_hint = false} : vector<5000x128xf32>, vector<128x64xf32>, vector<5000x64xf32> -> vector<5000x64xf32>
    %get3A_6 = arith.constant 0 : index
    %get3A_7 = arith.constant 0 : index
    %get3A_8 = vector.load %arg3[%get3A_6, %get3A_7] : memref<5000x128xf32, #tpu.memory_space<vmem>>, vector<5000x1xf32>
    %get3A_9 = arith.constant 0 : index
    %get3A_10 = arith.constant 64 : index
    %get3A_11 = vector.load %arg3[%get3A_9, %get3A_10] : memref<5000x128xf32, #tpu.memory_space<vmem>>, vector<5000x1xf32>
    %add3A = arith.addf %get3A_8, %get3A_11 : vector<5000x1xf32>
    %add3A_12 = arith.constant 1.000000e+00 : f32
    %add3A_13 = vector.broadcast %add3A_12 : f32 to vector<5000x1xf32>
    %add3A_14 = arith.addf %add3A, %add3A_13 : vector<5000x1xf32>
    %rsqrt3A = math.rsqrt %add3A_14 : vector<5000x1xf32>
    %mul3A = vector.broadcast %rsqrt3A : vector<5000x1xf32> to vector<5000x64xf32>
    %mul3A_15 = arith.mulf %dot_general3A_5, %mul3A : vector<5000x64xf32>
    %swap3A = arith.constant 0 : index
    %swap3A_16 = arith.constant 0 : index
    %swap3A_17 = vector.load %arg4[%swap3A, %swap3A_16] : memref<5000x64xf32, #tpu.memory_space<vmem>>, vector<5000x64xf32>
    tpu.vector_store %arg4[%swap3A, %swap3A_16], %mul3A_15 {strides = array<i32>} : memref<5000x64xf32, #tpu.memory_space<vmem>>, vector<5000x64xf32>,
    return
  }
  func.func @transform_0(%arg0: i32) -> (i32, i32) {
    %c0_i32 = arith.constant 0 : i32
    %c0_i32_0 = arith.constant 0 : i32
    return %arg0, %c0_i32 : i32, i32
  }
  func.func @transform_1(%arg0: i32) -> (i32, i32) {
    %c0_i32 = arith.constant 0 : i32
    %c0_i32_0 = arith.constant 0 : i32
    %c0_i32_1 = arith.constant 0 : i32
    return %c0_i32, %c0_i32_0 : i32, i32
  }
  func.func @transform_2(%arg0: i32) -> (i32, i32) {
    %c0_i32 = arith.constant 0 : i32
    %c0_i32_0 = arith.constant 0 : i32
    return %arg0, %c0_i32 : i32, i32
  }
  func.func @transform_3(%arg0: i32) -> (i32, i32) {
    %c0_i32 = arith.constant 0 : i32
    %c0_i32_0 = arith.constant 0 : i32
    return %arg0, %c0_i32 : i32, i32
  }
}

module attributes {stable_mosaic.version = 14 : i64} {
  func.func @_tc2_body(%arg0: i32, %arg1: memref<5000x128xf32, #tpu.memory_space<vmem>>, %arg2: memref<5000x64xf32, #tpu.memory_space<vmem>>, %arg3: memref<5000x128xf32, #tpu.memory_space<vmem>>, %arg4: memref<64x16xf32, #tpu.memory_space<vmem>>, %arg5: memref<1x64xf32, #tpu.memory_space<vmem>>, %arg6: memref<5000x16xf32, #tpu.memory_space<vmem>>) attributes {dimension_semantics = [#tpu.dimension_semantics<arbitrary>], iteration_bounds = array<i64: 2>, scalar_prefetch = 0 : i64, scratch_operands = 0 : i64, tpu.core_type = #tpu.core_type<tc>, window_params = [{transform_indices = @transform_0, window_bounds = array<i64: 5000, 128>}, {transform_indices = @transform_1, window_bounds = array<i64: 5000, 64>}, {transform_indices = @transform_2, window_bounds = array<i64: 5000, 128>}, {pipeline_mode = #tpu.pipeline_mode<synchronous>, transform_indices = @transform_3, window_bounds = array<i64: 64, 16>}, {pipeline_mode = #tpu.pipeline_mode<synchronous>, transform_indices = @transform_4, window_bounds = array<i64: 1, 64>}, {transform_indices = @transform_5, window_bounds = array<i64: 5000, 16>}]} {
    %get3A = arith.constant 0 : index
    %get3A_0 = arith.constant 0 : index
    %get3A_1 = vector.load %arg3[%get3A, %get3A_0] : memref<5000x128xf32, #tpu.memory_space<vmem>>, vector<5000x1xf32>
    %get3A_2 = arith.constant 0 : index
    %get3A_3 = arith.constant 64 : index
    %get3A_4 = vector.load %arg3[%get3A_2, %get3A_3] : memref<5000x128xf32, #tpu.memory_space<vmem>>, vector<5000x1xf32>
    %add3A = arith.addf %get3A_1, %get3A_4 : vector<5000x1xf32>
    %add3A_5 = arith.constant 1.000000e+00 : f32
    %add3A_6 = vector.broadcast %add3A_5 : f32 to vector<5000x1xf32>
    %add3A_7 = arith.addf %add3A, %add3A_6 : vector<5000x1xf32>
    %rsqrt3A = math.rsqrt %add3A_7 : vector<5000x1xf32>
    %get3A_8 = arith.constant 0 : index
    %get3A_9 = arith.constant 0 : index
    %get3A_10 = vector.load %arg1[%get3A_8, %get3A_9] : memref<5000x128xf32, #tpu.memory_space<vmem>>, vector<5000x64xf32>
    %get3A_11 = arith.constant 0 : index
    %get3A_12 = arith.constant 64 : index
    %get3A_13 = vector.load %arg1[%get3A_11, %get3A_12] : memref<5000x128xf32, #tpu.memory_space<vmem>>, vector<5000x64xf32>
    %add3A_14 = arith.addf %get3A_10, %get3A_13 : vector<5000x64xf32>
    %get3A_15 = arith.constant 0 : index
    %get3A_16 = arith.constant 0 : index
    %get3A_17 = vector.load %arg2[%get3A_15, %get3A_16] : memref<5000x64xf32, #tpu.memory_space<vmem>>, vector<5000x64xf32>
    %add3A_18 = arith.addf %add3A_14, %get3A_17 : vector<5000x64xf32>
    %mul3A = vector.broadcast %rsqrt3A : vector<5000x1xf32> to vector<5000x64xf32>
    %mul3A_19 = arith.mulf %add3A_18, %mul3A : vector<5000x64xf32>
    %get3A_20 = arith.constant 0 : index
    %get3A_21 = arith.constant 0 : index
    %get3A_22 = vector.load %arg5[%get3A_20, %get3A_21] : memref<1x64xf32, #tpu.memory_space<vmem>>, vector<1x64xf32>
    %add3A_23 = vector.broadcast %get3A_22 : vector<1x64xf32> to vector<5000x64xf32>
    %add3A_24 = arith.addf %mul3A_19, %add3A_23 : vector<5000x64xf32>
    %max3A = arith.constant 0.000000e+00 : f32
    %max3A_25 = vector.broadcast %max3A : f32 to vector<5000x64xf32>
    %max3A_26 = arith.maximumf %add3A_24, %max3A_25 : vector<5000x64xf32>
    %get3A_27 = arith.constant 0 : index
    %get3A_28 = arith.constant 0 : index
    %get3A_29 = vector.load %arg4[%get3A_27, %get3A_28] : memref<64x16xf32, #tpu.memory_space<vmem>>, vector<64x16xf32>
    %dot_general3A = arith.constant dense<0.000000e+00> : vector<5000x16xf32>
    %dot_general3A_30 = tpu.matmul %max3A_26, %get3A_29, %dot_general3A {dimension_numbers = #tpu.dot_dimension_numbers<[1], [0], [0], [1], [0, 0, 1, 1], [], []>, transpose_lhs_hint = false} : vector<5000x64xf32>, vector<64x16xf32>, vector<5000x16xf32> -> vector<5000x16xf32>
    %mul3A_31 = vector.broadcast %rsqrt3A : vector<5000x1xf32> to vector<5000x16xf32>
    %mul3A_32 = arith.mulf %dot_general3A_30, %mul3A_31 : vector<5000x16xf32>
    %swap3A = arith.constant 0 : index
    %swap3A_33 = arith.constant 0 : index
    %swap3A_34 = vector.load %arg6[%swap3A, %swap3A_33] : memref<5000x16xf32, #tpu.memory_space<vmem>>, vector<5000x16xf32>
    tpu.vector_store %arg6[%swap3A, %swap3A_33], %mul3A_32 {strides = array<i32>} : memref<5000x16xf32, #tpu.memory_space<vmem>>, vector<5000x16xf32>,
    return
  }
  func.func @transform_0(%arg0: i32) -> (i32, i32) {
    %c0_i32 = arith.constant 0 : i32
    %c0_i32_0 = arith.constant 0 : i32
    return %arg0, %c0_i32 : i32, i32
  }
  func.func @transform_1(%arg0: i32) -> (i32, i32) {
    %c0_i32 = arith.constant 0 : i32
    %c0_i32_0 = arith.constant 0 : i32
    return %arg0, %c0_i32 : i32, i32
  }
  func.func @transform_2(%arg0: i32) -> (i32, i32) {
    %c0_i32 = arith.constant 0 : i32
    %c0_i32_0 = arith.constant 0 : i32
    return %arg0, %c0_i32 : i32, i32
  }
  func.func @transform_3(%arg0: i32) -> (i32, i32) {
    %c0_i32 = arith.constant 0 : i32
    %c0_i32_0 = arith.constant 0 : i32
    %c0_i32_1 = arith.constant 0 : i32
    return %c0_i32, %c0_i32_0 : i32, i32
  }
  func.func @transform_4(%arg0: i32) -> (i32, i32) {
    %c0_i32 = arith.constant 0 : i32
    %c0_i32_0 = arith.constant 0 : i32
    %c0_i32_1 = arith.constant 0 : i32
    return %c0_i32, %c0_i32_0 : i32, i32
  }
  func.func @transform_5(%arg0: i32) -> (i32, i32) {
    %c0_i32 = arith.constant 0 : i32
    %c0_i32_0 = arith.constant 0 : i32
    return %arg0, %c0_i32 : i32, i32
  }
}

module attributes {stable_mosaic.version = 14 : i64} {
  func.func @_tc3_body(%arg0: i32, %arg1: memref<5000x128xf32, #tpu.memory_space<vmem>>, %arg2: memref<5000x16xf32, #tpu.memory_space<vmem>>, %arg3: memref<5000x128xf32, #tpu.memory_space<vmem>>, %arg4: memref<1x16xf32, #tpu.memory_space<vmem>>, %arg5: memref<5000x10xf32, #tpu.memory_space<vmem>>) attributes {dimension_semantics = [#tpu.dimension_semantics<arbitrary>], iteration_bounds = array<i64: 2>, scalar_prefetch = 0 : i64, scratch_operands = 0 : i64, tpu.core_type = #tpu.core_type<tc>, window_params = [{transform_indices = @transform_0, window_bounds = array<i64: 5000, 128>}, {transform_indices = @transform_1, window_bounds = array<i64: 5000, 16>}, {transform_indices = @transform_2, window_bounds = array<i64: 5000, 128>}, {pipeline_mode = #tpu.pipeline_mode<synchronous>, transform_indices = @transform_3, window_bounds = array<i64: 1, 16>}, {transform_indices = @transform_4, window_bounds = array<i64: 5000, 10>}]} {
    %get3A = arith.constant 0 : index
    %get3A_0 = arith.constant 0 : index
    %get3A_1 = vector.load %arg3[%get3A, %get3A_0] : memref<5000x128xf32, #tpu.memory_space<vmem>>, vector<5000x1xf32>
    %get3A_2 = arith.constant 0 : index
    %get3A_3 = arith.constant 64 : index
    %get3A_4 = vector.load %arg3[%get3A_2, %get3A_3] : memref<5000x128xf32, #tpu.memory_space<vmem>>, vector<5000x1xf32>
    %add3A = arith.addf %get3A_1, %get3A_4 : vector<5000x1xf32>
    %add3A_5 = arith.constant 1.000000e+00 : f32
    %add3A_6 = vector.broadcast %add3A_5 : f32 to vector<5000x1xf32>
    %add3A_7 = arith.addf %add3A, %add3A_6 : vector<5000x1xf32>
    %rsqrt3A = math.rsqrt %add3A_7 : vector<5000x1xf32>
    %get3A_8 = arith.constant 0 : index
    %get3A_9 = arith.constant 0 : index
    %get3A_10 = vector.load %arg1[%get3A_8, %get3A_9] : memref<5000x128xf32, #tpu.memory_space<vmem>>, vector<5000x16xf32>
    %get3A_11 = arith.constant 0 : index
    %get3A_12 = arith.constant 64 : index
    %get3A_13 = vector.load %arg1[%get3A_11, %get3A_12] : memref<5000x128xf32, #tpu.memory_space<vmem>>, vector<5000x16xf32>
    %add3A_14 = arith.addf %get3A_10, %get3A_13 : vector<5000x16xf32>
    %get3A_15 = arith.constant 0 : index
    %get3A_16 = arith.constant 0 : index
    %get3A_17 = vector.load %arg2[%get3A_15, %get3A_16] : memref<5000x16xf32, #tpu.memory_space<vmem>>, vector<5000x16xf32>
    %add3A_18 = arith.addf %add3A_14, %get3A_17 : vector<5000x16xf32>
    %mul3A = vector.broadcast %rsqrt3A : vector<5000x1xf32> to vector<5000x16xf32>
    %mul3A_19 = arith.mulf %add3A_18, %mul3A : vector<5000x16xf32>
    %get3A_20 = arith.constant 0 : index
    %get3A_21 = arith.constant 0 : index
    %get3A_22 = vector.load %arg4[%get3A_20, %get3A_21] : memref<1x16xf32, #tpu.memory_space<vmem>>, vector<1x16xf32>
    %add3A_23 = vector.broadcast %get3A_22 : vector<1x16xf32> to vector<5000x16xf32>
    %add3A_24 = arith.addf %mul3A_19, %add3A_23 : vector<5000x16xf32>
    %iota3A = tpu.iota {dimensions = array<i32: 1>} : vector<5000x16xi32>
    %lt3A = arith.constant 10 : i32
    %lt3A_25 = vector.broadcast %lt3A : i32 to vector<5000x16xi32>
    %lt3A_26 = arith.cmpi slt, %iota3A, %lt3A_25 : vector<5000x16xi32>
    %jit3A = arith.constant 0xFF800000 : f32
    %broadcast_in_dim3A = vector.broadcast %jit3A : f32 to vector<5000x16xf32>
    %select_n3A = arith.select %lt3A_26, %add3A_24, %broadcast_in_dim3A : vector<5000x16xi1>, vector<5000x16xf32>
    %reduce_max3A = arith.constant dense<0xFF800000> : vector<5000xf32>
    %reduce_max3A_27 = vector.multi_reduction <maximumf>, %select_n3A, %reduce_max3A [1] : vector<5000x16xf32> to vector<5000xf32>
    %broadcast_in_dim3A_28 = vector.shape_cast %reduce_max3A_27 : vector<5000xf32> to vector<5000x1xf32>
    %sub3A = vector.broadcast %broadcast_in_dim3A_28 : vector<5000x1xf32> to vector<5000x16xf32>
    %sub3A_29 = arith.subf %select_n3A, %sub3A : vector<5000x16xf32>
    %exp3A = math.exp %sub3A_29 : vector<5000x16xf32>
    %reduce_sum3A = arith.constant dense<0.000000e+00> : vector<5000xf32>
    %reduce_sum3A_30 = vector.multi_reduction <add>, %exp3A, %reduce_sum3A [1] : vector<5000x16xf32> to vector<5000xf32>
    %broadcast_in_dim3A_31 = vector.shape_cast %reduce_sum3A_30 : vector<5000xf32> to vector<5000x1xf32>
    %log3A = math.log %broadcast_in_dim3A_31 : vector<5000x1xf32>
    %sub3A_32 = vector.broadcast %broadcast_in_dim3A_28 : vector<5000x1xf32> to vector<5000x16xf32>
    %sub3A_33 = arith.subf %add3A_24, %sub3A_32 : vector<5000x16xf32>
    %sub3A_34 = vector.broadcast %log3A : vector<5000x1xf32> to vector<5000x16xf32>
    %sub3A_35 = arith.subf %sub3A_33, %sub3A_34 : vector<5000x16xf32>
    %slice3A = vector.extract_strided_slice %sub3A_35 {offsets = [0, 0], sizes = [5000, 10], strides = [1, 1]} : vector<5000x16xf32> to vector<5000x10xf32>
    %swap3A = arith.constant 0 : index
    %swap3A_36 = arith.constant 0 : index
    %swap3A_37 = vector.load %arg5[%swap3A, %swap3A_36] : memref<5000x10xf32, #tpu.memory_space<vmem>>, vector<5000x10xf32>
    tpu.vector_store %arg5[%swap3A, %swap3A_36], %slice3A {strides = array<i32>} : memref<5000x10xf32, #tpu.memory_space<vmem>>, vector<5000x10xf32>,
    return
  }
  func.func @transform_0(%arg0: i32) -> (i32, i32) {
    %c0_i32 = arith.constant 0 : i32
    %c0_i32_0 = arith.constant 0 : i32
    return %arg0, %c0_i32 : i32, i32
  }
  func.func @transform_1(%arg0: i32) -> (i32, i32) {
    %c0_i32 = arith.constant 0 : i32
    %c0_i32_0 = arith.constant 0 : i32
    return %arg0, %c0_i32 : i32, i32
  }
  func.func @transform_2(%arg0: i32) -> (i32, i32) {
    %c0_i32 = arith.constant 0 : i32
    %c0_i32_0 = arith.constant 0 : i32
    return %arg0, %c0_i32 : i32, i32
  }
  func.func @transform_3(%arg0: i32) -> (i32, i32) {
    %c0_i32 = arith.constant 0 : i32
    %c0_i32_0 = arith.constant 0 : i32
    %c0_i32_1 = arith.constant 0 : i32
    return %c0_i32, %c0_i32_0 : i32, i32
  }
  func.func @transform_4(%arg0: i32) -> (i32, i32) {
    %c0_i32 = arith.constant 0 : i32
    %c0_i32_0 = arith.constant 0 : i32
    return %arg0, %c0_i32 : i32, i32
  }
}

</mosaic_0001>

<sc_bundles>
// kernel: kernel.11.cloned.1.call-start
scs
__scs_entry_jumppad:
0x0: {  	(pc) =	sbr.rel $0x88, $3  }
0x1: {  	(tag) =	ssettag $0x0;
	lr =	simm.s32 $0x1  }
0x2: {  	[smem:$0x3F9B] =	sst lr;
	_ =	strace $0xD0000000  }
0x3: {  	_ = 	snop  }
0x4: {  	_ = 	snop  }
0x5: {  	_ = 	snop  }
0x6: {  	_ = 	snop  }
0x7: {  	_ = 	snop  }
__scs_overlays_trampoline_lowered:
0x8: {  	[smem:$0x3FAA] =	sst s0  }
0x9: {  	[smem:$0x3FAB] =	sst s1  }
0xa: {  	[smem:$0x3FAC] =	sst s2  }
0xb: {  	[smem:$0x3FAD] =	sst s3  }
0xc: {  	[smem:$0x3FAE] =	sst s4  }
0xd: {  	[smem:$0x3FAF] =	sst s5  }
0xe: {  	[smem:$0x3FB0] =	sst s6  }
0xf: {  	[smem:$0x3FB1] =	sst s7  }
0x10: {  	[smem:$0x3FB2] =	sst s8  }
0x11: {  	[smem:$0x3FB3] =	sst s9;
	s0 =	simm.s32 @!p0 $0x0  }
0x12: {  	s1 =	sld [smem:$0x3F99];
	s0 =	simm.s32 @p0 $0x1  }
0x13: {  	[smem:$0x3FB4] =	sst s0;
	s0 =	simm.s32 @!p1 $0x0  }
0x14: {  	s2 =	sld [smem:$0x3F98];
	s0 =	simm.s32 @p1 $0x1  }
0x15: {  	[smem:$0x3FB5] =	sst s0;
	s0 =	simm.s32 @!p2 $0x0  }
0x16: {  	s3 =	sld [smem:$0x3FDB];
	s0 =	simm.s32 @p2 $0x1  }
0x17: {  	s4 =	simm.s32 $0x1BF5;
	[smem:$0x3FB7] =	sst s0  }
0x18: {  	s0 =	sld [smem:$0x3F9A];
	_ =	swait.ge [sflag:s4], $0x0  }
0x19: {  	s7 =	sld [smem:$0x3F9B]  }
0x1a: {  	s8 =	sadd.s32 $0xFFFFE003, lr  }
0x1b: {  	s9 =	sadd.s32 $0xFFFFFEF7, lr;
	s5 =	simm.s32 $0xFFFFFFFF;
	p2 =	slt.u32 s8, $0xFFFFF086  }
0x1c: {  	p1 =	slt.u32 s9, $0xF7A;
	s5 =	simm.s32 @!p2 $0x0  }
0x1d: {  	s5 =	simm.s32 @p1 $0x1;
	p0 =	seq.s32 s7, s2  }
0x1e: {  	s7 =	smul.u32 @!p0 $0xF7A, s2;
	p2 =	seq.s32 @!p0 s5, $0x0  }
0x1f: {  	s9 =	smul.u32 $0xF7A, s1;
	s8 =	simm.s32 @!p0 $0x1BF5;
	p2 =	por !p2, p0  }
0x20: {  	[sflag:s8] =	ssyncset.s32 @!p0 $0xFFFFF086;
	s6 =	sadd.s32 @!p0 s3, s7;
	s7 =	simm.s32 @!p0 $0x108  }
0x21: {  	s3 =	sadd.s32 s3, s9;
	s6 =	sadd.s32 @!p0 $0x88, s6;
	s7 =	simm.s32 @p2 $0x1082  }
0x22: {  	[simem:s7], [sflag:s8] =	dma.local @!p0 [hbm:s6], $0xF7A  }
0x23: {  	s9 =	sor.u32 $0xD0000000, s2;
	s6 =	simm.s32 $0x108;
	_ =	swait.ge @!p0 [sflag:s8], $0x0  }
0x24: {  	s3 =	sadd.s32 $0x88, s3;
	s6 =	simm.s32 @!p1 $0x1082;
	[sflag:s4] =	ssyncset.s32 $0xFFFFF086  }
0x25: {  	[simem:s6], [sflag:s4] =	dma.local [hbm:s3], $0xF7A  }
0x26: {  	[smem:$0x3F9B] =	sst s1;
	(tag) =	ssettag s2;
	_ =	strace s9  }
0x27: {  	s1 =	sld [smem:$0x3FAB]  }
0x28: {  	s2 =	sld [smem:$0x3FAC]  }
0x29: {  	s4 =	sld [smem:$0x3FAE]  }
0x2a: {  	p0 =	seq.s32 s5, $0x0;
	s5 =	sld [smem:$0x3FAF]  }
0x2b: {  	s6 =	sld [smem:$0x3FB0]  }
0x2c: {  	s7 =	sld [smem:$0x3FB1]  }
0x2d: {  	s3 =	simm.s32 $0x108;
	s8 =	sld [smem:$0x3FB2]  }
0x2e: {  	s3 =	simm.s32 @!p0 $0x1082;
	s9 =	sld [smem:$0x3FB3]  }
0x2f: {  	lr =	sadd.s32 s0, s3;
	s0 =	sld [smem:$0x3FAA]  }
0x30: {  	s3 =	sld [smem:$0x3FAD]  }
0x31: {  	[smem:$0x3FB6] =	sst s10  }
0x32: {  	s10 =	sld [smem:$0x3FB4];
	_ =	sdelay $0x3  }
0x33: {  	p0 =	seq.s32 s10, $0x1;
	s10 =	sld [smem:$0x3FB6];
	_ =	sdelay $0x3  }
0x34: {  	[smem:$0x3FB6] =	sst s10  }
0x35: {  	s10 =	sld [smem:$0x3FB5];
	_ =	sdelay $0x3  }
0x36: {  	p1 =	seq.s32 s10, $0x1;
	s10 =	sld [smem:$0x3FB6];
	_ =	sdelay $0x3  }
0x37: {  	[smem:$0x3FB6] =	sst s10  }
0x38: {  	s10 =	sld [smem:$0x3FB7]  }
0x39: {  	_ = 	snop;
	(pc) =	sbr.ind lr, $3  }
0x3a: {  	_ = 	snop  }
0x3b: {  	_ = 	snop  }
0x3c: {  	p2 =	seq.s32 s10, $0x1;
	s10 =	sld [smem:$0x3FB6]  }
0x3d: {  	_ =	shalt  }
0x3e: {  	_ =	shalt  }
0x3f: {  	_ =	shalt  }
0x40: {  	_ =	shalt  }
0x41: {  	_ =	shalt  }
0x42: {  	_ =	shalt  }
0x43: {  	_ =	shalt  }
0x44: {  	_ =	shalt  }
0x45: {  	_ =	shalt  }
0x46: {  	_ =	shalt  }
0x47: {  	_ =	shalt  }
0x48: {  	_ =	shalt  }
0x49: {  	_ =	shalt  }
0x4a: {  	_ =	shalt  }
0x4b: {  	_ =	shalt  }
0x4c: {  	_ =	shalt  }
0x4d: {  	_ =	shalt  }
0x4e: {  	_ =	shalt  }
0x4f: {  	_ =	shalt  }
0x50: {  	_ =	shalt  }
0x51: {  	_ =	shalt  }
0x52: {  	_ =	shalt  }
0x53: {  	_ =	shalt  }
0x54: {  	_ =	shalt  }
0x55: {  	_ =	shalt  }
0x56: {  	_ =	shalt  }
0x57: {  	_ =	shalt  }
0x58: {  	_ =	shalt  }
0x59: {  	_ =	shalt  }
0x5a: {  	_ =	shalt  }
0x5b: {  	_ =	shalt  }
0x5c: {  	_ =	shalt  }
0x5d: {  	_ =	shalt  }
0x5e: {  	_ =	shalt  }
0x5f: {  	_ =	shalt  }
0x60: {  	_ =	shalt  }
0x61: {  	_ =	shalt  }
0x62: {  	_ =	shalt  }
0x63: {  	_ =	shalt  }
0x64: {  	_ =	shalt  }
0x65: {  	_ =	shalt  }
0x66: {  	_ =	shalt  }
0x67: {  	_ =	shalt  }
0x68: {  	_ =	shalt  }
0x69: {  	_ =	shalt  }
0x6a: {  	_ =	shalt  }
0x6b: {  	_ =	shalt  }
0x6c: {  	_ =	shalt  }
0x6d: {  	_ =	shalt  }
0x6e: {  	_ =	shalt  }
0x6f: {  	_ =	shalt  }
0x70: {  	_ =	shalt  }
0x71: {  	_ =	shalt  }
0x72: {  	_ =	shalt  }
0x73: {  	_ =	shalt  }
0x74: {  	_ =	shalt  }
0x75: {  	_ =	shalt  }
0x76: {  	_ =	shalt  }
0x77: {  	_ =	shalt  }
0x78: {  	_ =	shalt  }
0x79: {  	_ =	shalt  }
0x7a: {  	_ =	shalt  }
0x7b: {  	_ =	shalt  }
0x7c: {  	_ =	shalt  }
0x7d: {  	_ =	shalt  }
0x7e: {  	_ =	shalt  }
0x7f: {  	_ =	shalt  }
0x80: {  	_ =	shalt  }
0x81: {  	_ =	shalt  }
0x82: {  	_ =	shalt  }
0x83: {  	_ =	shalt  }
0x84: {  	_ =	shalt  }
0x85: {  	_ =	shalt  }
0x86: {  	_ =	shalt  }
0x87: {  	_ =	shalt  }
.Lfunc_end0:
.L_simem_size_0:
called_computation.1_lowered:
.L_overlay_start_0:
0x88: {  	s2 =	sld [smem:$0x3FD9]  }
0x89: {  	s3 =	sld [smem:$0x3FFE];
	_ =	sdelay $0x1  }
0x8a: {  	s1 =	srdreg.scid  }
0x8b: {  	s0 =	sand.u32 $0x1, s1  }
0x8c: {  	s16 =	sshll.u32 s0, $0xA;
	s2 =	sadd.s32 s3, s2  }
0x8d: {  	s2 =	sadd.s32 s2, s16  }
0x8e: {  	[smem:$0x3FC2] =	sst s2  }
0x8f: {  	_ = 	snop  }
0x90: {  	(tm) =	ssettm $0x1  }
0x91: {  	s17 =	sld [smem:$0x3FFB];
	_ =	sdelay $0x3  }
0x92: {  	_ =	strace s17  }
0x93: {  	s2 =	sld [smem:$0x3FFC];
	_ =	sdelay $0x3  }
0x94: {  	_ =	strace s2  }
0x95: {  	s2 =	sld [smem:$0x3FFD];
	_ =	sdelay $0x3  }
0x96: {  	_ =	strace s2  }
0x97: {  	_ =	strace $0x8FFFFFFF  }
0x98: {  	s18 =	sld [smem:$0x3FDB];
	_ =	sdelay $0x1  }
0x99: {  	s19 =	simm.s32 $_scs_section_size  }
0x9a: {  	s4 =	simm.s32 $_size__tile_overlayer_lowered;
	s5 =	simm.s32 $_tile_overlayer_lowered  }
0x9b: {  	s22 =	simm.s32 $0x1BFF;
	s21 =	sshll.u32 s5, $0x1;
	s2 =	sadd.s32 s19, s18  }
0x9c: {  	s6 =	simm.s32 $0x0;
	s20 =	sshll.u32 s4, $0x1;
	s4 =	sadd.s32 s21, s2  }
0x9d: {  	[timem:s6], [sflag:s22] =	dma.local [hbm:s4], s20  }
0x9e: {  	_ =	swait.ge [sflag:s22], s20  }
0x9f: {  	s3 =	ssub.s32 $0x0, s20;
	[sflag:s22] =	ssyncset.done $0x0  }
0xa0: {  	[sflag:s22] =	ssyncadd.s32 s3;
	_ =	sdelay $0x1  }
0xa1: {  	s23 =	simm.s32 $0x1B8B  }
0xa2: {  	_ =	swait.ge [sflag:s23], $0x1  }
0xa3: {  	[sflag:s23] =	ssyncset.done $0x0  }
0xa4: {  	s25 =	simm.s32 $0x1B8E;
	s24 =	sld [smem:$0x3FFE];
	[sflag:s23] =	ssyncadd.s32 $0xFFFFFFFF  }
0xa5: {  	s26 =	simm.s32 $execute0_lowered;
	[smem:$0x3FD2] =	sst s25  }
0xa6: {  	s4 =	sshll.u32 s26, $0x1;
	_ =	strace $0x80000049;
	[dreg:$0x1] =	wrdreg $0xFFFFFFFF  }
0xa7: {  	s28 =	simm.s32 $_size_execute0_lowered;
	s2 =	sadd.s32 s2, s4;
	[dreg:$0x0] =	wrdreg $0x0  }
0xa8: {  	s4 =	sshll.u32 s28, $0x1;
	[dreg:$0x2] =	wrdreg s2  }
0xa9: {  	[dreg:$0x3] =	wrdreg s4  }
0xaa: {  	[dreg:$0x4] =	wrdreg $0xC0  }
0xab: {  	_ =	task [dreg:s6], $0x5FFFF  }
0xac: {  	[dreg:$0x1] =	wrdreg $0xFFFFFFFF  }
0xad: {  	[dreg:$0x0] =	wrdreg $0x60  }
0xae: {  	[dreg:$0x2] =	wrdreg s24  }
0xaf: {  	[dreg:$0x3] =	wrdreg $0x12E800  }
0xb0: {  	[dreg:$0x4] =	wrdreg $0x9  }
0xb1: {  	_ =	task.clear_ibuf [dreg:s6], $0x5FFFF;
	_ =	strace $0x90000049  }
0xb2: {  	s29 =	simm.s32 $0x9;
	_ =	strace $0x8000004B  }
0xb3: {  	_ =	swait.ge [sflag:s29], $0x1  }
0xb4: {  	[sflag:s29] =	ssyncadd.s32 $0xFFFFFFFF  }
0xb5: {  	_ =	strace $0x9000004B  }
0xb6: {  	_ =	sfence  }
0xb7: {  	s30 =	sld [smem:$0x0];
	_ =	sdelay $0x2  }
0xb8: {  	s31 =	sshll.u32 s1, $0xD;
	s1 =	sshrl.u32 s1, $0x2  }
0xb9: {  	s3 =	sand.u32 $0x4000, s31;
	s1 =	sadd.s32 s1, s30  }
0xba: {  	s0 =	sor.u32 s3, s0;
	s1 =	sshll.u32 s1, $0x11  }
0xbb: {  	s0 =	sor.u32 s1, s0  }
0xbc: {  	s0 =	sadd.s32 $0x8F2B, s0  }
0xbd: {  	[sflag:s0] =	ssyncadd.remote.s32 $0x1  }
0xbe: {  	_ =	sfence.sel $0xFFFF  }
0xbf: {  	[dreg:$0x0] =	wrdreg $0xFFFFFFFF;
	(pc) =	sbr.abs _section_cstart, $3  }
0xc0: {  	[dreg:$0x1] =	wrdreg $0xFFFFFFFF  }
0xc1: {  	_ =	task.clear_ibuf [dreg:s6], $0x2FFFF;
	_ =	strace $0x9FFFFFFF  }
0xc2: {  	(tm) =	ssettm $0x7FFFFFFF  }
0xc3: {  	_ =	shalt  }
tec
execute0_lowered:
.L_overlay_start_1:
0x0: {  	(tag) =	ssettag $0x1  }
0x1: {  	s5 =	rddreg [dreg:$0x0]  }
0x2: {  	s1 =	rddreg [dreg:$0x1]  }
0x3: {  	s2 =	srdreg.scid;
	s0 =	rddreg [dreg:$0x2];
	s3 =	simm.s32 $0x0  }
0x4: {  	s11 =	simm.s32 $0x3;
	s12 =	simm.s32 $0x2800;
	s13 =	simm.s32 $0x7D  }
0x5: {  	s14 =	simm.s32 $0x5000;
	s15 =	simm.s32 $0x80;
	s16 =	simm.s32 $0x6F40  }
0x6: {  	s17 =	simm.s32 $0x1;
	s18 =	simm.s32 $0x2;
	s19 =	simm.s32 $0x4F00  }
0x7: {  	s20 =	simm.s32 $0x4F80;
	s21 =	simm.s32 $0x40;
	s6 =	sand.u32 $0x1, s2  }
0x8: {  	s2 =	stileid.u32;
	[smem:$0x7FF] =	sst s3;
	s4 =	sshll.u32 s6, $0x4  }
0x9: {  	s7 =	smul.u32 $0x14000, s2;
	_ =	strace $0x8000004A;
	s9 =	sshll.u32 s6, $0x6  }
0xa: {  	s28 =	smul.u32 $0x28000, s2;
	s6 =	ssub.s32 $0x2, s6;
	s4 =	sor.u32 s2, s4  }
0xb: {  	s29 =	sshrl.u32 s6, $0x1;
	s8 =	smul.u32 $0x500, s4;
	s4 =	sadd.s32 $0xBA00, s5  }
0xc: {  	s7 =	sor.u32 s9, s7;
	s30 =	sshrl.u32 s28, $0x2;
	s31 =	ssub.s32 s6, s29  }
0xd: {  	s7 =	sshrl.u32 s7, $0x3;
	s9 =	smax.u32 s31, $0x1;
	s8 =	sadd.s32 s8, s5  }
0xe: {  	s10 =	sadd.s32 s7, s5;
	s5 =	sadd.s32 s30, s1;
	s6 =	sadd.s32 $0x33A00, s8  }
0xf: {  	v0 =	vimm.f32 $0.0e+00;
	s7 =	sadd.s32 $0x1A00, s8;
	s8 =	sadd.s32 $0x3DA00, s10;
	s10 =	simm.s32 $0x8E80  }
.LBB2_1:
0x10: {  	s23 =	simm.s32 $0x100;
	s22 =	simm.s32 $0x0  }
.LBB2_2:
0x11: {  	p0 =	sne.s32 s23, $0x27F00;
	[tilespmem:s22+$0x8EB0] =	vst v0;
	s24 =	smov.u32 s23;
	s23 =	sadd.s32 $0x100, s23  }
.Ltmp0:
0x12: {  	[tilespmem:s22+$0x8EA0] =	vst v0;
	(pc) =	sbr.rel @p0 .LBB2_2-.Ltmp0, $3  }
0x13: {  	[tilespmem:s22+$0x8E80] =	vst v0  }
0x14: {  	[tilespmem:s22+$0x8E90] =	vst v0;
	_ =	sdelay $0x1  }
0x15: {  	s22 =	sshra.s32 s24, $0x2  }
0x16: {  	[tilespmem:s22+$0x8EB0] =	vst v0  }
0x17: {  	[tilespmem:s22+$0x8EA0] =	vst v0  }
0x18: {  	[tilespmem:s22+$0x8E80] =	vst v0  }
0x19: {  	[tilespmem:s22+$0x8E90] =	vst v0  }
0x1a: {  	[spmem:s5] =	stream.linear.scatter [tilespmem:s10], [sflag:$0x3], $0xA000, $0x38;
	[tilespmem:$0x1CE80] =	vst v63  }
0x1b: {  	_ =	swait.ge [sflag:s11], $0xA000  }
0x1c: {  	[sflag:s11] =	ssyncset.done $0x0  }
0x1d: {  	s28 =	simm.s32 $0x0;
	[sflag:s11] =	ssyncadd.s32 $0xFFFF6000  }
0x1e: {  	[tilespmem:s28], [sflag:$0x3] =	stream.linear.gather [hbm4b:s6+s28], $0x2800, $0x38;
	[tilespmem:$0x1CE80] =	vst v63  }
0x1f: {  	_ =	swait.ge [sflag:s11], $0x2800  }
0x20: {  	[sflag:s11] =	ssyncset.done $0x0  }
0x21: {  	[sflag:s11] =	ssyncadd.s32 $0xFFFFD800  }
0x22: {  	[tilespmem:s12], [sflag:$0x3] =	stream.linear.gather [hbm4b:s7+s28], $0x2800, $0x38;
	[tilespmem:$0x1CE80] =	vst v63  }
0x23: {  	_ =	swait.ge [sflag:s11], $0x2800  }
0x24: {  	[sflag:s11] =	ssyncset.done $0x0  }
0x25: {  	[sflag:s11] =	ssyncadd.s32 $0xFFFFD800  }
0x26: {  	[bflag:$0x0] =	sbarrier.arrive $0xFFFF  }
0x27: {  	[tilespmem:s14], [sflag:$0x1] =	stream.indirect.gather [hbm4b:s4+s13], $0x40, s28, s13, $0xb8;
	[tilespmem:$0x1CE80] =	vst v63  }
0x28: {  	_ = 	snop  }
0x29: {  	[tilespmem:s16], [sflag:$0x2] =	stream.indirect.gather [hbm4b:s4+s13], $0x40, s15, s13, $0xb8;
	[tilespmem:$0x1CE80] =	vst v63  }
0x2a: {  	_ =	swait.ge [sflag:s17], $0x1F40  }
0x2b: {  	[sflag:s17] =	ssyncset.done $0x0  }
0x2c: {  	s29 =	simm.s32 $0x2800;
	[sflag:s17] =	ssyncadd.s32 $0xFFFFE0C0  }
0x2d: {  	[spmem:s1] =	stream.indirect.scatter.add.f32 [tilespmem:s14], [sflag:$0x3], $0x40, s29, s13, $0xb8;
	[tilespmem:$0x1CE80] =	vst v63  }
0x2e: {  	_ =	swait.ge [sflag:s11], $0x1F40  }
0x2f: {  	[sflag:s11] =	ssyncset.done $0x0  }
0x30: {  	s30 =	simm.s32 $0x100;
	[sflag:s11] =	ssyncadd.s32 $0xFFFFE0C0  }
0x31: {  	[tilespmem:s14], [sflag:$0x1] =	stream.indirect.gather [hbm4b:s4+s13], $0x40, s30, s13, $0xb8;
	[tilespmem:$0x1CE80] =	vst v63  }
0x32: {  	_ =	swait.ge [sflag:s18], $0x1F40  }
0x33: {  	[sflag:s18] =	ssyncset.done $0x0  }
0x34: {  	s31 =	simm.s32 $0x2880;
	[sflag:s18] =	ssyncadd.s32 $0xFFFFE0C0  }
0x35: {  	[spmem:s1] =	stream.indirect.scatter.add.f32 [tilespmem:s16], [sflag:$0x3], $0x40, s31, s13, $0xb8;
	[tilespmem:$0x1CE80] =	vst v63  }
0x36: {  	_ =	swait.ge [sflag:s11], $0x1F40  }
0x37: {  	[sflag:s11] =	ssyncset.done $0x0  }
0x38: {  	s22 =	simm.s32 $0x400;
	s23 =	simm.s32 $0x180;
	[sflag:s11] =	ssyncadd.s32 $0xFFFFE0C0  }
.LBB2_4:
0x39: {  	[tilespmem:s16], [sflag:$0x2] =	stream.indirect.gather [hbm4b:s4+s13], $0x40, s23, s13, $0xb8;
	[tilespmem:$0x1CE80] =	vst v63  }
0x3a: {  	s23 =	smov.u32 s22  }
0x3b: {  	p0 =	sne.s32 s22, $0x9800;
	s22 =	sadd.s32 $0x400, s22;
	_ =	swait.ge [sflag:s17], $0x1F40  }
0x3c: {  	s23 =	sshra.s32 s23, $0x2;
	[sflag:s17] =	ssyncset.done $0x0  }
0x3d: {  	s24 =	sadd.s32 $0x2800, s23;
	[sflag:s17] =	ssyncadd.s32 $0xFFFFE0C0  }
0x3e: {  	[spmem:s1] =	stream.indirect.scatter.add.f32 [tilespmem:s14], [sflag:$0x3], $0x40, s24, s13, $0xb8;
	[tilespmem:$0x1CE80] =	vst v63  }
0x3f: {  	_ =	swait.ge [sflag:s11], $0x1F40  }
0x40: {  	[sflag:s11] =	ssyncset.done $0x0  }
0x41: {  	s24 =	sadd.s32 $0x100, s23;
	[sflag:s11] =	ssyncadd.s32 $0xFFFFE0C0  }
0x42: {  	[tilespmem:s14], [sflag:$0x1] =	stream.indirect.gather [hbm4b:s4+s13], $0x40, s24, s13, $0xb8;
	[tilespmem:$0x1CE80] =	vst v63  }
0x43: {  	_ =	swait.ge [sflag:s18], $0x1F40  }
0x44: {  	[sflag:s18] =	ssyncset.done $0x0  }
.Ltmp1:
0x45: {  	s24 =	sadd.s32 $0x2880, s23;
	[sflag:s18] =	ssyncadd.s32 $0xFFFFE0C0;
	(pc) =	sbr.rel @p0 .LBB2_4-.Ltmp1, $4  }
0x46: {  	[spmem:s1] =	stream.indirect.scatter.add.f32 [tilespmem:s16], [sflag:$0x3], $0x40, s24, s13, $0xb8;
	[tilespmem:$0x1CE80] =	vst v63  }
0x47: {  	_ =	swait.ge [sflag:s11], $0x1F40  }
0x48: {  	[sflag:s11] =	ssyncset.done $0x0  }
0x49: {  	s23 =	sadd.s32 $0x180, s23;
	[sflag:s11] =	ssyncadd.s32 $0xFFFFE0C0  }
0x4a: {  	[tilespmem:s16], [sflag:$0x2] =	stream.indirect.gather [hbm4b:s4+s13], $0x40, s23, s13, $0xb8;
	[tilespmem:$0x1CE80] =	vst v63  }
0x4b: {  	_ =	swait.ge [sflag:s17], $0x1F40  }
0x4c: {  	[sflag:s17] =	ssyncset.done $0x0  }
0x4d: {  	[sflag:s17] =	ssyncadd.s32 $0xFFFFE0C0  }
0x4e: {  	[spmem:s1] =	stream.indirect.scatter.add.f32 [tilespmem:s14], [sflag:$0x3], $0x40, s19, s13, $0xb8;
	[tilespmem:$0x1CE80] =	vst v63  }
0x4f: {  	_ =	swait.ge [sflag:s11], $0x1F40  }
0x50: {  	[sflag:s11] =	ssyncset.done $0x0  }
0x51: {  	[sflag:s11] =	ssyncadd.s32 $0xFFFFE0C0  }
0x52: {  	_ =	swait.ge [sflag:s18], $0x1F40  }
0x53: {  	[sflag:s18] =	ssyncset.done $0x0  }
0x54: {  	[sflag:s18] =	ssyncadd.s32 $0xFFFFE0C0  }
0x55: {  	[spmem:s1] =	stream.indirect.scatter.add.f32 [tilespmem:s16], [sflag:$0x3], $0x40, s20, s13, $0xb8;
	[tilespmem:$0x1CE80] =	vst v63  }
0x56: {  	_ =	swait.ge [sflag:s11], $0x1F40  }
0x57: {  	[sflag:s11] =	ssyncset.done $0x0  }
0x58: {  	[sflag:s11] =	ssyncadd.s32 $0xFFFFE0C0  }
0x59: {  	[bflag:$0x0] =	sbarrier.arrive $0xFFFF  }
0x5a: {  	[tilespmem:s10], [sflag:$0x3] =	stream.linear.gather [spmem:s5], $0xA000, $0x38;
	[tilespmem:$0x1CE80] =	vst v63  }
0x5b: {  	s3 =	sadd.s32 $0x1, s3;
	_ =	swait.ge [sflag:s11], $0xA000  }
0x5c: {  	p0 =	sne.s32 s3, s9;
	[sflag:s11] =	ssyncset.done $0x0  }
.Ltmp2:
0x5d: {  	[sflag:s11] =	ssyncadd.s32 $0xFFFF6000;
	(pc) =	sbr.rel @p0 .LBB2_1-.Ltmp2, $4  }
0x5e: {  	[hbm4b:s8+s21] =	stream.strided.scatter [tilespmem:s10], [sflag:$0x3], $0xA000, s15, s21, $0x38;
	[tilespmem:$0x1CE80] =	vst v63  }
0x5f: {  	_ =	swait.ge [sflag:s11], $0xA000  }
0x60: {  	[sflag:s11] =	ssyncset.done $0x0  }
0x61: {  	[sflag:s11] =	ssyncadd.s32 $0xFFFF6000  }
0x62: {  	_ =	sfence.sel $0x180000  }
0x63: {  	[bflag:$0x0] =	sbarrier.arrive $0xFFFF  }
0x64: {  	p0 =	sne.s32 s2, $0x0;
	_ =	strace $0x9000004A  }
0x65: {  	s0 =	sadd.s32 @!p0 $0x100000, s0;
	[bflag:$0x2] =	sbarrier.arrive $0xFFFF  }
0x66: {  	[sflag:s0] =	ssyncadd.tile.s32 @!p0 $0x1;
	_ =	shalt  }
.Lfunc_end2:
_tile_overlayer_lowered:
.L_overlay_start_2:
0x67: {  	(tag) =	ssettag $0x2  }
0x68: {  	s0 =	rddreg [dreg:$0x0];
	s2 =	stileid.u32  }
0x69: {  	s1 =	rddreg [dreg:$0x1];
	p0 =	sne.s32 s2, $0x0  }
0x6a: {  	s3 =	rddreg [dreg:$0x2];
	[bflag:$0x3] =	sbarrier.arrive $0xFFFF;
	s2 =	simm.s32 @!p0 $0x1C03  }
0x6b: {  	[timem:s3], [sflag:s2] =	dma.local @!p0 [hbm:s0], s1  }
0x6c: {  	s0 =	simm.s32 @!p0 $0x3  }
0x6d: {  	_ =	swait.ge @!p0 [sflag:s0], s1  }
0x6e: {  	s1 =	ssub.s32 @!p0 $0x0, s1;
	[sflag:s0] =	ssyncset.done @!p0 $0x0  }
0x6f: {  	[sflag:s0] =	ssyncadd.s32 @!p0 s1  }
0x70: {  	[bflag:$0x3] =	sbarrier.arrive $0xFFFF  }
0x71: {  	_ =	shalt  }

// kernel: kernel.14.cloned.1.call-start
scs
__scs_entry_jumppad:
0x0: {  	(pc) =	sbr.rel $0x88, $3  }
0x1: {  	(tag) =	ssettag $0x0;
	lr =	simm.s32 $0x1  }
0x2: {  	[smem:$0x3F9B] =	sst lr;
	_ =	strace $0xD0000000  }
0x3: {  	_ = 	snop  }
0x4: {  	_ = 	snop  }
0x5: {  	_ = 	snop  }
0x6: {  	_ = 	snop  }
0x7: {  	_ = 	snop  }
__scs_overlays_trampoline_lowered:
0x8: {  	[smem:$0x3FAA] =	sst s0  }
0x9: {  	[smem:$0x3FAB] =	sst s1  }
0xa: {  	[smem:$0x3FAC] =	sst s2  }
0xb: {  	[smem:$0x3FAD] =	sst s3  }
0xc: {  	[smem:$0x3FAE] =	sst s4  }
0xd: {  	[smem:$0x3FAF] =	sst s5  }
0xe: {  	[smem:$0x3FB0] =	sst s6  }
0xf: {  	[smem:$0x3FB1] =	sst s7  }
0x10: {  	[smem:$0x3FB2] =	sst s8  }
0x11: {  	[smem:$0x3FB3] =	sst s9;
	s0 =	simm.s32 @!p0 $0x0  }
0x12: {  	s1 =	sld [smem:$0x3F99];
	s0 =	simm.s32 @p0 $0x1  }
0x13: {  	[smem:$0x3FB4] =	sst s0;
	s0 =	simm.s32 @!p1 $0x0  }
0x14: {  	s2 =	sld [smem:$0x3F98];
	s0 =	simm.s32 @p1 $0x1  }
0x15: {  	[smem:$0x3FB5] =	sst s0;
	s0 =	simm.s32 @!p2 $0x0  }
0x16: {  	s3 =	sld [smem:$0x3FDB];
	s0 =	simm.s32 @p2 $0x1  }
0x17: {  	s4 =	simm.s32 $0x1BF5;
	[smem:$0x3FB7] =	sst s0  }
0x18: {  	s0 =	sld [smem:$0x3F9A];
	_ =	swait.ge [sflag:s4], $0x0  }
0x19: {  	s7 =	sld [smem:$0x3F9B]  }
0x1a: {  	s8 =	sadd.s32 $0xFFFFE003, lr  }
0x1b: {  	s9 =	sadd.s32 $0xFFFFFEF7, lr;
	s5 =	simm.s32 $0xFFFFFFFF;
	p2 =	slt.u32 s8, $0xFFFFF086  }
0x1c: {  	p1 =	slt.u32 s9, $0xF7A;
	s5 =	simm.s32 @!p2 $0x0  }
0x1d: {  	s5 =	simm.s32 @p1 $0x1;
	p0 =	seq.s32 s7, s2  }
0x1e: {  	s7 =	smul.u32 @!p0 $0xF7A, s2;
	p2 =	seq.s32 @!p0 s5, $0x0  }
0x1f: {  	s9 =	smul.u32 $0xF7A, s1;
	s8 =	simm.s32 @!p0 $0x1BF5;
	p2 =	por !p2, p0  }
0x20: {  	[sflag:s8] =	ssyncset.s32 @!p0 $0xFFFFF086;
	s6 =	sadd.s32 @!p0 s3, s7;
	s7 =	simm.s32 @!p0 $0x108  }
0x21: {  	s3 =	sadd.s32 s3, s9;
	s6 =	sadd.s32 @!p0 $0x88, s6;
	s7 =	simm.s32 @p2 $0x1082  }
0x22: {  	[simem:s7], [sflag:s8] =	dma.local @!p0 [hbm:s6], $0xF7A  }
0x23: {  	s9 =	sor.u32 $0xD0000000, s2;
	s6 =	simm.s32 $0x108;
	_ =	swait.ge @!p0 [sflag:s8], $0x0  }
0x24: {  	s3 =	sadd.s32 $0x88, s3;
	s6 =	simm.s32 @!p1 $0x1082;
	[sflag:s4] =	ssyncset.s32 $0xFFFFF086  }
0x25: {  	[simem:s6], [sflag:s4] =	dma.local [hbm:s3], $0xF7A  }
0x26: {  	[smem:$0x3F9B] =	sst s1;
	(tag) =	ssettag s2;
	_ =	strace s9  }
0x27: {  	s1 =	sld [smem:$0x3FAB]  }
0x28: {  	s2 =	sld [smem:$0x3FAC]  }
0x29: {  	s4 =	sld [smem:$0x3FAE]  }
0x2a: {  	p0 =	seq.s32 s5, $0x0;
	s5 =	sld [smem:$0x3FAF]  }
0x2b: {  	s6 =	sld [smem:$0x3FB0]  }
0x2c: {  	s7 =	sld [smem:$0x3FB1]  }
0x2d: {  	s3 =	simm.s32 $0x108;
	s8 =	sld [smem:$0x3FB2]  }
0x2e: {  	s3 =	simm.s32 @!p0 $0x1082;
	s9 =	sld [smem:$0x3FB3]  }
0x2f: {  	lr =	sadd.s32 s0, s3;
	s0 =	sld [smem:$0x3FAA]  }
0x30: {  	s3 =	sld [smem:$0x3FAD]  }
0x31: {  	[smem:$0x3FB6] =	sst s10  }
0x32: {  	s10 =	sld [smem:$0x3FB4];
	_ =	sdelay $0x3  }
0x33: {  	p0 =	seq.s32 s10, $0x1;
	s10 =	sld [smem:$0x3FB6];
	_ =	sdelay $0x3  }
0x34: {  	[smem:$0x3FB6] =	sst s10  }
0x35: {  	s10 =	sld [smem:$0x3FB5];
	_ =	sdelay $0x3  }
0x36: {  	p1 =	seq.s32 s10, $0x1;
	s10 =	sld [smem:$0x3FB6];
	_ =	sdelay $0x3  }
0x37: {  	[smem:$0x3FB6] =	sst s10  }
0x38: {  	s10 =	sld [smem:$0x3FB7]  }
0x39: {  	_ = 	snop;
	(pc) =	sbr.ind lr, $3  }
0x3a: {  	_ = 	snop  }
0x3b: {  	_ = 	snop  }
0x3c: {  	p2 =	seq.s32 s10, $0x1;
	s10 =	sld [smem:$0x3FB6]  }
0x3d: {  	_ =	shalt  }
0x3e: {  	_ =	shalt  }
0x3f: {  	_ =	shalt  }
0x40: {  	_ =	shalt  }
0x41: {  	_ =	shalt  }
0x42: {  	_ =	shalt  }
0x43: {  	_ =	shalt  }
0x44: {  	_ =	shalt  }
0x45: {  	_ =	shalt  }
0x46: {  	_ =	shalt  }
0x47: {  	_ =	shalt  }
0x48: {  	_ =	shalt  }
0x49: {  	_ =	shalt  }
0x4a: {  	_ =	shalt  }
0x4b: {  	_ =	shalt  }
0x4c: {  	_ =	shalt  }
0x4d: {  	_ =	shalt  }
0x4e: {  	_ =	shalt  }
0x4f: {  	_ =	shalt  }
0x50: {  	_ =	shalt  }
0x51: {  	_ =	shalt  }
0x52: {  	_ =	shalt  }
0x53: {  	_ =	shalt  }
0x54: {  	_ =	shalt  }
0x55: {  	_ =	shalt  }
0x56: {  	_ =	shalt  }
0x57: {  	_ =	shalt  }
0x58: {  	_ =	shalt  }
0x59: {  	_ =	shalt  }
0x5a: {  	_ =	shalt  }
0x5b: {  	_ =	shalt  }
0x5c: {  	_ =	shalt  }
0x5d: {  	_ =	shalt  }
0x5e: {  	_ =	shalt  }
0x5f: {  	_ =	shalt  }
0x60: {  	_ =	shalt  }
0x61: {  	_ =	shalt  }
0x62: {  	_ =	shalt  }
0x63: {  	_ =	shalt  }
0x64: {  	_ =	shalt  }
0x65: {  	_ =	shalt  }
0x66: {  	_ =	shalt  }
0x67: {  	_ =	shalt  }
0x68: {  	_ =	shalt  }
0x69: {  	_ =	shalt  }
0x6a: {  	_ =	shalt  }
0x6b: {  	_ =	shalt  }
0x6c: {  	_ =	shalt  }
0x6d: {  	_ =	shalt  }
0x6e: {  	_ =	shalt  }
0x6f: {  	_ =	shalt  }
0x70: {  	_ =	shalt  }
0x71: {  	_ =	shalt  }
0x72: {  	_ =	shalt  }
0x73: {  	_ =	shalt  }
0x74: {  	_ =	shalt  }
0x75: {  	_ =	shalt  }
0x76: {  	_ =	shalt  }
0x77: {  	_ =	shalt  }
0x78: {  	_ =	shalt  }
0x79: {  	_ =	shalt  }
0x7a: {  	_ =	shalt  }
0x7b: {  	_ =	shalt  }
0x7c: {  	_ =	shalt  }
0x7d: {  	_ =	shalt  }
0x7e: {  	_ =	shalt  }
0x7f: {  	_ =	shalt  }
0x80: {  	_ =	shalt  }
0x81: {  	_ =	shalt  }
0x82: {  	_ =	shalt  }
0x83: {  	_ =	shalt  }
0x84: {  	_ =	shalt  }
0x85: {  	_ =	shalt  }
0x86: {  	_ =	shalt  }
0x87: {  	_ =	shalt  }
.Lfunc_end0:
.L_simem_size_0:
called_computation.2_lowered:
.L_overlay_start_0:
0x88: {  	s2 =	sld [smem:$0x3FD9]  }
0x89: {  	s3 =	sld [smem:$0x3FFE];
	_ =	sdelay $0x1  }
0x8a: {  	s1 =	srdreg.scid  }
0x8b: {  	s0 =	sand.u32 $0x1, s1  }
0x8c: {  	s17 =	sshll.u32 s0, $0xA;
	s2 =	sadd.s32 s3, s2  }
0x8d: {  	s2 =	sadd.s32 s2, s17  }
0x8e: {  	[smem:$0x3FC2] =	sst s2  }
0x8f: {  	_ = 	snop  }
0x90: {  	s2 =	sld [smem:$0x3FD0];
	(tm) =	ssettm $0x1  }
0x91: {  	s18 =	sld [smem:$0x3FFB];
	_ =	sdelay $0x3  }
0x92: {  	_ =	strace s18  }
0x93: {  	s3 =	sld [smem:$0x3FFC];
	_ =	sdelay $0x3  }
0x94: {  	_ =	strace s3  }
0x95: {  	s3 =	sld [smem:$0x3FFD];
	_ =	sdelay $0x3  }
0x96: {  	_ =	strace s3  }
0x97: {  	_ =	strace $0x8FFFFFFF  }
0x98: {  	s19 =	sld [smem:$0x3FDB];
	_ =	sdelay $0x1  }
0x99: {  	s4 =	simm.s32 $_scs_section_size  }
0x9a: {  	s5 =	simm.s32 $_size__tile_overlayer_lowered;
	s6 =	simm.s32 $_tile_overlayer_lowered  }
0x9b: {  	s22 =	simm.s32 $0x1BFF;
	s21 =	sshll.u32 s6, $0x1;
	s3 =	sadd.s32 s4, s19  }
0x9c: {  	s7 =	simm.s32 $0x0;
	s20 =	sshll.u32 s5, $0x1;
	s5 =	sadd.s32 s21, s3  }
0x9d: {  	[timem:s7], [sflag:s22] =	dma.local [hbm:s5], s20  }
0x9e: {  	_ =	swait.ge [sflag:s22], s20  }
0x9f: {  	s4 =	ssub.s32 $0x0, s20;
	[sflag:s22] =	ssyncset.done $0x0  }
0xa0: {  	[sflag:s22] =	ssyncadd.s32 s4;
	_ =	sdelay $0x1  }
0xa1: {  	s23 =	simm.s32 $0x1B8B  }
0xa2: {  	_ =	swait.ge [sflag:s23], $0x1  }
0xa3: {  	[sflag:s23] =	ssyncset.done $0x0  }
0xa4: {  	s25 =	simm.s32 $0x1B8E;
	s24 =	sld [smem:$0x3FFE];
	[sflag:s23] =	ssyncadd.s32 $0xFFFFFFFF  }
0xa5: {  	s26 =	simm.s32 $execute0_lowered;
	[smem:$0x3FD2] =	sst s25  }
0xa6: {  	s5 =	sshll.u32 s26, $0x1;
	_ =	strace $0x8000004C;
	[dreg:$0x1] =	wrdreg $0xFFFFFFFF  }
0xa7: {  	s28 =	simm.s32 $_size_execute0_lowered;
	s3 =	sadd.s32 s3, s5;
	[dreg:$0x0] =	wrdreg $0x0  }
0xa8: {  	s5 =	sshll.u32 s28, $0x1;
	[dreg:$0x2] =	wrdreg s3  }
0xa9: {  	[dreg:$0x3] =	wrdreg s5  }
0xaa: {  	[dreg:$0x4] =	wrdreg $0xC0  }
0xab: {  	_ =	task [dreg:s7], $0x5FFFF  }
0xac: {  	[dreg:$0x1] =	wrdreg $0xFFFFFFFF  }
0xad: {  	[dreg:$0x0] =	wrdreg $0x60  }
0xae: {  	[dreg:$0x2] =	wrdreg s2  }
0xaf: {  	[dreg:$0x3] =	wrdreg s24  }
0xb0: {  	[dreg:$0x4] =	wrdreg $0x97400  }
0xb1: {  	[dreg:$0x5] =	wrdreg $0x9  }
0xb2: {  	_ =	task.clear_ibuf [dreg:s7], $0x6FFFF;
	_ =	strace $0x9000004C  }
0xb3: {  	s29 =	simm.s32 $0x9;
	_ =	strace $0x8000004E  }
0xb4: {  	_ =	swait.ge [sflag:s29], $0x1  }
0xb5: {  	[sflag:s29] =	ssyncadd.s32 $0xFFFFFFFF  }
0xb6: {  	_ =	strace $0x9000004E  }
0xb7: {  	_ =	sfence  }
0xb8: {  	s30 =	sld [smem:$0x0];
	_ =	sdelay $0x2  }
0xb9: {  	s31 =	sshll.u32 s1, $0xD;
	s1 =	sshrl.u32 s1, $0x2  }
0xba: {  	s3 =	sand.u32 $0x4000, s31;
	s1 =	sadd.s32 s1, s30  }
0xbb: {  	s0 =	sor.u32 s3, s0;
	s1 =	sshll.u32 s1, $0x11  }
0xbc: {  	s0 =	sor.u32 s1, s0  }
0xbd: {  	s0 =	sadd.s32 $0x8F2B, s0  }
0xbe: {  	[sflag:s0] =	ssyncadd.remote.s32 $0x1  }
0xbf: {  	_ =	sfence.sel $0xFFFF  }
0xc0: {  	[dreg:$0x0] =	wrdreg $0xFFFFFFFF;
	(pc) =	sbr.abs _section_cstart, $3  }
0xc1: {  	[dreg:$0x1] =	wrdreg $0xFFFFFFFF  }
0xc2: {  	_ =	task.clear_ibuf [dreg:s7], $0x2FFFF;
	_ =	strace $0x9FFFFFFF  }
0xc3: {  	(tm) =	ssettm $0x7FFFFFFF  }
tec
execute0_lowered:
.L_overlay_start_1:
0x0: {  	(tag) =	ssettag $0x1  }
0x1: {  	s1 =	rddreg [dreg:$0x0]  }
0x2: {  	s0 =	rddreg [dreg:$0x1]  }
0x3: {  	s2 =	rddreg [dreg:$0x2]  }
0x4: {  	s3 =	srdreg.scid;
	s4 =	simm.s32 $0x0;
	s8 =	stileid.u32  }
0x5: {  	s10 =	simm.s32 $0x6F40;
	s11 =	simm.s32 $0x9;
	s12 =	simm.s32 $0x2800  }
0x6: {  	s13 =	simm.s32 $0x7D;
	s14 =	simm.s32 $0x5000;
	s15 =	simm.s32 $0x80  }
0x7: {  	s16 =	simm.s32 $0x57D0;
	s17 =	simm.s32 $0x1;
	s19 =	simm.s32 $0x5FA0  }
0x8: {  	s20 =	simm.s32 $0x2;
	s22 =	simm.s32 $0x6770;
	s29 =	simm.s32 $0x4  }
0x9: {  	s30 =	simm.s32 $0x6;
	s18 =	simm.s32 $0x8;
	s21 =	simm.s32 $0x10  }
0xa: {  	s3 =	sand.u32 $0x1, s3;
	[smem:$0x7FF] =	sst s4;
	s6 =	smul.u32 $0x14000, s8  }
0xb: {  	s24 =	smul.u32 $0xA000, s8;
	s5 =	sshll.u32 s3, $0x4;
	_ =	strace $0x8000004D  }
0xc: {  	s7 =	sshll.u32 s3, $0x6;
	s3 =	ssub.s32 $0x2, s3;
	s5 =	sor.u32 s8, s5  }
0xd: {  	s6 =	sor.u32 s7, s6;
	s28 =	sshrl.u32 s3, $0x1;
	s5 =	smul.u32 $0x500, s5  }
.Ltmp0:
0xe: {  	s31 =	sshrl.u32 s24, $0x2;
	s3 =	ssub.s32 s3, s28;
	(pc) =	sbr.rel .LBB2_1-.Ltmp0, $4  }
0xf: {  	s24 =	simm.s32 $0x3;
	s26 =	sshrl.u32 s6, $0x3;
	s9 =	smax.u32 s3, $0x1  }
0x10: {  	s3 =	simm.s32 $0x7;
	s25 =	sadd.s32 s5, s0;
	s0 =	sadd.s32 s26, s0  }
0x11: {  	s5 =	sadd.s32 s31, s2;
	s6 =	sadd.s32 $0x33A00, s25;
	s7 =	sadd.s32 $0x1A00, s25  }
0x12: {  	v0 =	vimm.f32 $0.0e+00;
	s8 =	sadd.s32 $0xBA00, s0;
	s25 =	simm.s32 $0x5;
	s0 =	simm.s32 $0x2980  }
.LBB2_6:
0x13: {  	[spmem:s2] =	stream.indirect.scatter.add.f32 [tilespmem:s19], [sflag:$0x7], $0x10, s28, s13, $0xb8;
	[tilespmem:$0xBF40] =	vst v63  }
0x14: {  	_ =	swait.ge [sflag:s29], $0x7D0  }
0x15: {  	[sflag:s29] =	ssyncset.done $0x0  }
0x16: {  	[sflag:s29] =	ssyncadd.s32 $0xFFFFF830  }
0x17: {  	_ =	swait.ge [sflag:s30], $0x7D0  }
0x18: {  	[sflag:s30] =	ssyncset.done $0x0  }
0x19: {  	s23 =	sadd.s32 $0x2B80, s26;
	[sflag:s30] =	ssyncadd.s32 $0xFFFFF830  }
0x1a: {  	[spmem:s2] =	stream.indirect.scatter.add.f32 [tilespmem:s22], [sflag:$0x8], $0x10, s23, s13, $0xb8;
	[tilespmem:$0xBF40] =	vst v63  }
0x1b: {  	_ =	swait.ge [sflag:s3], $0x7D0  }
0x1c: {  	[sflag:s3] =	ssyncset.done $0x0  }
0x1d: {  	[sflag:s3] =	ssyncadd.s32 $0xFFFFF830  }
0x1e: {  	_ =	swait.ge [sflag:s18], $0x7D0  }
0x1f: {  	[sflag:s18] =	ssyncset.done $0x0  }
0x20: {  	[sflag:s18] =	ssyncadd.s32 $0xFFFFF830  }
0x21: {  	[bflag:$0x0] =	sbarrier.arrive $0xFFFF  }
0x22: {  	[tilespmem:s10], [sflag:$0x9] =	stream.linear.gather [spmem:s5], $0x2800, $0x38;
	[tilespmem:$0xBF40] =	vst v63  }
0x23: {  	s4 =	sadd.s32 $0x1, s4;
	_ =	swait.ge [sflag:s11], $0x2800  }
0x24: {  	p0 =	sne.s32 s4, s9;
	[sflag:s11] =	ssyncset.done $0x0  }
.Ltmp1:
0x25: {  	[sflag:s11] =	ssyncadd.s32 $0xFFFFD800;
	(pc) =	sbr.rel @!p0 .LBB2_7-.Ltmp1, $4  }
0x26: {  	[hbm4b:s8+s21] =	stream.strided.scatter [tilespmem:s10], [sflag:$0x9], $0x2800, s15, s21, $0x38;
	[tilespmem:$0xBF40] =	vst v63  }
0x27: {  	_ =	swait.ge [sflag:s11], $0x2800  }
0x28: {  	[sflag:s11] =	ssyncset.done $0x0  }
0x29: {  	[sflag:s11] =	ssyncadd.s32 $0xFFFFD800  }
.LBB2_1:
0x2a: {  	s23 =	simm.s32 $0x40;
	s26 =	simm.s32 $0x0  }
.LBB2_2:
0x2b: {  	p0 =	sne.s32 s23, $0x9FC0;
	[tilespmem:s26+$0x6F40] =	vst v0;
	s26 =	smov.u32 s23;
	s23 =	sadd.s32 $0x40, s23  }
.Ltmp2:
0x2c: {  	(pc) =	sbr.rel @p0 .LBB2_2-.Ltmp2, $2  }
0x2d: {  	_ =	sdelay $0x2  }
0x2e: {  	s26 =	sshra.s32 s26, $0x2  }
0x2f: {  	[tilespmem:s26+$0x6F40] =	vst v0  }
0x30: {  	[spmem:s5] =	stream.linear.scatter [tilespmem:s10], [sflag:$0x9], $0x2800, $0x38;
	[tilespmem:$0xBF40] =	vst v63  }
0x31: {  	_ =	swait.ge [sflag:s11], $0x2800  }
0x32: {  	[sflag:s11] =	ssyncset.done $0x0  }
0x33: {  	s23 =	simm.s32 $0x0;
	[sflag:s11] =	ssyncadd.s32 $0xFFFFD800  }
0x34: {  	[tilespmem:s23], [sflag:$0x9] =	stream.linear.gather [hbm4b:s6+s23], $0x2800, $0x38;
	[tilespmem:$0xBF40] =	vst v63  }
0x35: {  	_ =	swait.ge [sflag:s11], $0x2800  }
0x36: {  	[sflag:s11] =	ssyncset.done $0x0  }
0x37: {  	[sflag:s11] =	ssyncadd.s32 $0xFFFFD800  }
0x38: {  	[tilespmem:s12], [sflag:$0x9] =	stream.linear.gather [hbm4b:s7+s23], $0x2800, $0x38;
	[tilespmem:$0xBF40] =	vst v63  }
0x39: {  	_ =	swait.ge [sflag:s11], $0x2800  }
0x3a: {  	[sflag:s11] =	ssyncset.done $0x0  }
0x3b: {  	[sflag:s11] =	ssyncadd.s32 $0xFFFFD800  }
0x3c: {  	[bflag:$0x0] =	sbarrier.arrive $0xFFFF  }
0x3d: {  	[tilespmem:s14], [sflag:$0x1] =	stream.indirect.gather [hbm4b:s1+s13], $0x10, s23, s13, $0xb8;
	[tilespmem:$0xBF40] =	vst v63  }
0x3e: {  	_ = 	snop  }
0x3f: {  	[tilespmem:s16], [sflag:$0x2] =	stream.indirect.gather [hbm4b:s1+s13], $0x10, s15, s13, $0xb8;
	[tilespmem:$0xBF40] =	vst v63  }
0x40: {  	_ =	swait.ge [sflag:s17], $0x7D0  }
0x41: {  	[sflag:s17] =	ssyncset.done $0x0  }
0x42: {  	s28 =	simm.s32 $0x100;
	[sflag:s17] =	ssyncadd.s32 $0xFFFFF830  }
0x43: {  	[tilespmem:s19], [sflag:$0x3] =	stream.indirect.gather [hbm4b:s1+s13], $0x10, s28, s13, $0xb8;
	[tilespmem:$0xBF40] =	vst v63  }
0x44: {  	_ = 	snop  }
0x45: {  	[spmem:s2] =	stream.indirect.scatter.add.f32 [tilespmem:s14], [sflag:$0x5], $0x10, s12, s13, $0xb8;
	[tilespmem:$0xBF40] =	vst v63  }
0x46: {  	_ =	swait.ge [sflag:s20], $0x7D0  }
0x47: {  	[sflag:s20] =	ssyncset.done $0x0  }
0x48: {  	s31 =	simm.s32 $0x180;
	[sflag:s20] =	ssyncadd.s32 $0xFFFFF830  }
0x49: {  	[tilespmem:s22], [sflag:$0x4] =	stream.indirect.gather [hbm4b:s1+s13], $0x10, s31, s13, $0xb8;
	[tilespmem:$0xBF40] =	vst v63  }
0x4a: {  	s28 =	simm.s32 $0x2880  }
0x4b: {  	[spmem:s2] =	stream.indirect.scatter.add.f32 [tilespmem:s16], [sflag:$0x6], $0x10, s28, s13, $0xb8;
	[tilespmem:$0xBF40] =	vst v63  }
0x4c: {  	_ =	swait.ge [sflag:s24], $0x7D0  }
0x4d: {  	[sflag:s24] =	ssyncset.done $0x0  }
0x4e: {  	[sflag:s24] =	ssyncadd.s32 $0xFFFFF830  }
0x4f: {  	_ =	swait.ge [sflag:s25], $0x7D0  }
0x50: {  	[sflag:s25] =	ssyncset.done $0x0  }
0x51: {  	s31 =	simm.s32 $0x200;
	[sflag:s25] =	ssyncadd.s32 $0xFFFFF830  }
0x52: {  	[tilespmem:s14], [sflag:$0x1] =	stream.indirect.gather [hbm4b:s1+s13], $0x10, s31, s13, $0xb8;
	[tilespmem:$0xBF40] =	vst v63  }
0x53: {  	s28 =	simm.s32 $0x2900  }
0x54: {  	[spmem:s2] =	stream.indirect.scatter.add.f32 [tilespmem:s19], [sflag:$0x7], $0x10, s28, s13, $0xb8;
	[tilespmem:$0xBF40] =	vst v63  }
0x55: {  	_ =	swait.ge [sflag:s29], $0x7D0  }
0x56: {  	[sflag:s29] =	ssyncset.done $0x0  }
0x57: {  	[sflag:s29] =	ssyncadd.s32 $0xFFFFF830  }
0x58: {  	_ =	swait.ge [sflag:s30], $0x7D0  }
0x59: {  	[sflag:s30] =	ssyncset.done $0x0  }
0x5a: {  	s31 =	simm.s32 $0x280;
	[sflag:s30] =	ssyncadd.s32 $0xFFFFF830  }
0x5b: {  	[tilespmem:s16], [sflag:$0x2] =	stream.indirect.gather [hbm4b:s1+s13], $0x10, s31, s13, $0xb8;
	[tilespmem:$0xBF40] =	vst v63  }
0x5c: {  	_ = 	snop  }
0x5d: {  	[spmem:s2] =	stream.indirect.scatter.add.f32 [tilespmem:s22], [sflag:$0x8], $0x10, s0, s13, $0xb8;
	[tilespmem:$0xBF40] =	vst v63  }
.LBB2_4:
0x5e: {  	_ =	swait.ge [sflag:s17], $0x7D0  }
0x5f: {  	[sflag:s17] =	ssyncset.done $0x0  }
0x60: {  	[sflag:s17] =	ssyncadd.s32 $0xFFFFF830  }
0x61: {  	_ =	swait.ge [sflag:s3], $0x7D0  }
0x62: {  	s26 =	sshra.s32 s23, $0x2;
	[sflag:s3] =	ssyncset.done $0x0  }
0x63: {  	s28 =	sadd.s32 $0x300, s26;
	[sflag:s3] =	ssyncadd.s32 $0xFFFFF830  }
0x64: {  	[tilespmem:s19], [sflag:$0x3] =	stream.indirect.gather [hbm4b:s1+s13], $0x10, s28, s13, $0xb8;
	[tilespmem:$0xBF40] =	vst v63  }
0x65: {  	s28 =	sadd.s32 $0x2A00, s26  }
0x66: {  	[spmem:s2] =	stream.indirect.scatter.add.f32 [tilespmem:s14], [sflag:$0x5], $0x10, s28, s13, $0xb8;
	[tilespmem:$0xBF40] =	vst v63  }
0x67: {  	_ =	swait.ge [sflag:s20], $0x7D0  }
0x68: {  	[sflag:s20] =	ssyncset.done $0x0  }
0x69: {  	[sflag:s20] =	ssyncadd.s32 $0xFFFFF830  }
0x6a: {  	_ =	swait.ge [sflag:s18], $0x7D0  }
0x6b: {  	[sflag:s18] =	ssyncset.done $0x0  }
0x6c: {  	s28 =	sadd.s32 $0x380, s26;
	[sflag:s18] =	ssyncadd.s32 $0xFFFFF830  }
0x6d: {  	[tilespmem:s22], [sflag:$0x4] =	stream.indirect.gather [hbm4b:s1+s13], $0x10, s28, s13, $0xb8;
	[tilespmem:$0xBF40] =	vst v63  }
0x6e: {  	s28 =	sadd.s32 $0x2A80, s26  }
0x6f: {  	[spmem:s2] =	stream.indirect.scatter.add.f32 [tilespmem:s16], [sflag:$0x6], $0x10, s28, s13, $0xb8;
	[tilespmem:$0xBF40] =	vst v63  }
0x70: {  	p0 =	seq.s32 s23, $0x9000;
	_ =	swait.ge [sflag:s24], $0x7D0  }
.Ltmp3:
0x71: {  	[sflag:s24] =	ssyncset.done $0x0;
	(pc) =	sbr.rel @p0 .LBB2_6-.Ltmp3, $4  }
0x72: {  	[sflag:s24] =	ssyncadd.s32 $0xFFFFF830  }
0x73: {  	_ =	swait.ge [sflag:s25], $0x7D0  }
0x74: {  	[sflag:s25] =	ssyncset.done $0x0  }
0x75: {  	s28 =	sadd.s32 $0x2B00, s26;
	[sflag:s25] =	ssyncadd.s32 $0xFFFFF830  }
0x76: {  	s31 =	sadd.s32 $0x400, s26  }
0x77: {  	[tilespmem:s14], [sflag:$0x1] =	stream.indirect.gather [hbm4b:s1+s13], $0x10, s31, s13, $0xb8;
	[tilespmem:$0xBF40] =	vst v63  }
0x78: {  	_ = 	snop  }
0x79: {  	[spmem:s2] =	stream.indirect.scatter.add.f32 [tilespmem:s19], [sflag:$0x7], $0x10, s28, s13, $0xb8;
	[tilespmem:$0xBF40] =	vst v63  }
0x7a: {  	_ =	swait.ge [sflag:s29], $0x7D0  }
0x7b: {  	[sflag:s29] =	ssyncset.done $0x0  }
0x7c: {  	[sflag:s29] =	ssyncadd.s32 $0xFFFFF830  }
0x7d: {  	_ =	swait.ge [sflag:s30], $0x7D0  }
.Ltmp4:
0x7e: {  	[sflag:s30] =	ssyncset.done $0x0;
	(pc) =	sbr.rel .LBB2_4-.Ltmp4, $4  }
0x7f: {  	s31 =	sadd.s32 $0x480, s26;
	[sflag:s30] =	ssyncadd.s32 $0xFFFFF830  }
0x80: {  	[tilespmem:s16], [sflag:$0x2] =	stream.indirect.gather [hbm4b:s1+s13], $0x10, s31, s13, $0xb8;
	[tilespmem:$0xBF40] =	vst v63  }
0x81: {  	s23 =	sadd.s32 $0x800, s23;
	s31 =	sadd.s32 $0x2B80, s26  }
0x82: {  	[spmem:s2] =	stream.indirect.scatter.add.f32 [tilespmem:s22], [sflag:$0x8], $0x10, s31, s13, $0xb8;
	[tilespmem:$0xBF40] =	vst v63  }
.LBB2_7:
0x83: {  	_ =	sfence.sel $0x180000  }
0x84: {  	[bflag:$0x0] =	sbarrier.arrive $0xFFFF  }
0x85: {  	_ =	strace $0x9000004D  }
0x86: {  	s0 =	stileid.u32;
	[bflag:$0x2] =	sbarrier.arrive $0xFFFF  }
0x87: {  	p0 =	sne.s32 s0, $0x0;
	s0 =	rddreg [dreg:$0x3]  }
0x88: {  	s0 =	sadd.s32 @!p0 $0x100000, s0  }
0x89: {  	[sflag:s0] =	ssyncadd.tile.s32 @!p0 $0x1;
	_ =	shalt  }
.Lfunc_end2:
_tile_overlayer_lowered:
.L_overlay_start_2:
0x8a: {  	(tag) =	ssettag $0x2  }
0x8b: {  	s0 =	rddreg [dreg:$0x0];
	s2 =	stileid.u32  }
0x8c: {  	s1 =	rddreg [dreg:$0x1];
	p0 =	sne.s32 s2, $0x0  }
0x8d: {  	s3 =	rddreg [dreg:$0x2];
	[bflag:$0x3] =	sbarrier.arrive $0xFFFF;
	s2 =	simm.s32 @!p0 $0x1C09  }
0x8e: {  	[timem:s3], [sflag:s2] =	dma.local @!p0 [hbm:s0], s1  }
0x8f: {  	s0 =	simm.s32 @!p0 $0x9  }
0x90: {  	_ =	swait.ge @!p0 [sflag:s0], s1  }
0x91: {  	s1 =	ssub.s32 @!p0 $0x0, s1;
	[sflag:s0] =	ssyncset.done @!p0 $0x0  }
0x92: {  	[sflag:s0] =	ssyncadd.s32 @!p0 s1  }
0x93: {  	[bflag:$0x3] =	sbarrier.arrive $0xFFFF  }
0x94: {  	_ =	shalt  }

// kernel: kernel.8.cloned.1.call-start
scs
__scs_entry_jumppad:
0x0: {  	(pc) =	sbr.rel $0x88, $3  }
0x1: {  	(tag) =	ssettag $0x0;
	lr =	simm.s32 $0x1  }
0x2: {  	[smem:$0x3F9B] =	sst lr;
	_ =	strace $0xD0000000  }
0x3: {  	_ = 	snop  }
0x4: {  	_ = 	snop  }
0x5: {  	_ = 	snop  }
0x6: {  	_ = 	snop  }
0x7: {  	_ = 	snop  }
__scs_overlays_trampoline_lowered:
0x8: {  	[smem:$0x3FAA] =	sst s0  }
0x9: {  	[smem:$0x3FAB] =	sst s1  }
0xa: {  	[smem:$0x3FAC] =	sst s2  }
0xb: {  	[smem:$0x3FAD] =	sst s3  }
0xc: {  	[smem:$0x3FAE] =	sst s4  }
0xd: {  	[smem:$0x3FAF] =	sst s5  }
0xe: {  	[smem:$0x3FB0] =	sst s6  }
0xf: {  	[smem:$0x3FB1] =	sst s7  }
0x10: {  	[smem:$0x3FB2] =	sst s8  }
0x11: {  	[smem:$0x3FB3] =	sst s9;
	s0 =	simm.s32 @!p0 $0x0  }
0x12: {  	s1 =	sld [smem:$0x3F99];
	s0 =	simm.s32 @p0 $0x1  }
0x13: {  	[smem:$0x3FB4] =	sst s0;
	s0 =	simm.s32 @!p1 $0x0  }
0x14: {  	s2 =	sld [smem:$0x3F98];
	s0 =	simm.s32 @p1 $0x1  }
0x15: {  	[smem:$0x3FB5] =	sst s0;
	s0 =	simm.s32 @!p2 $0x0  }
0x16: {  	s3 =	sld [smem:$0x3FDB];
	s0 =	simm.s32 @p2 $0x1  }
0x17: {  	s4 =	simm.s32 $0x1BF5;
	[smem:$0x3FB7] =	sst s0  }
0x18: {  	s0 =	sld [smem:$0x3F9A];
	_ =	swait.ge [sflag:s4], $0x0  }
0x19: {  	s7 =	sld [smem:$0x3F9B]  }
0x1a: {  	s8 =	sadd.s32 $0xFFFFE003, lr  }
0x1b: {  	s9 =	sadd.s32 $0xFFFFFEF7, lr;
	s5 =	simm.s32 $0xFFFFFFFF;
	p2 =	slt.u32 s8, $0xFFFFF086  }
0x1c: {  	p1 =	slt.u32 s9, $0xF7A;
	s5 =	simm.s32 @!p2 $0x0  }
0x1d: {  	s5 =	simm.s32 @p1 $0x1;
	p0 =	seq.s32 s7, s2  }
0x1e: {  	s7 =	smul.u32 @!p0 $0xF7A, s2;
	p2 =	seq.s32 @!p0 s5, $0x0  }
0x1f: {  	s9 =	smul.u32 $0xF7A, s1;
	s8 =	simm.s32 @!p0 $0x1BF5;
	p2 =	por !p2, p0  }
0x20: {  	[sflag:s8] =	ssyncset.s32 @!p0 $0xFFFFF086;
	s6 =	sadd.s32 @!p0 s3, s7;
	s7 =	simm.s32 @!p0 $0x108  }
0x21: {  	s3 =	sadd.s32 s3, s9;
	s6 =	sadd.s32 @!p0 $0x88, s6;
	s7 =	simm.s32 @p2 $0x1082  }
0x22: {  	[simem:s7], [sflag:s8] =	dma.local @!p0 [hbm:s6], $0xF7A  }
0x23: {  	s9 =	sor.u32 $0xD0000000, s2;
	s6 =	simm.s32 $0x108;
	_ =	swait.ge @!p0 [sflag:s8], $0x0  }
0x24: {  	s3 =	sadd.s32 $0x88, s3;
	s6 =	simm.s32 @!p1 $0x1082;
	[sflag:s4] =	ssyncset.s32 $0xFFFFF086  }
0x25: {  	[simem:s6], [sflag:s4] =	dma.local [hbm:s3], $0xF7A  }
0x26: {  	[smem:$0x3F9B] =	sst s1;
	(tag) =	ssettag s2;
	_ =	strace s9  }
0x27: {  	s1 =	sld [smem:$0x3FAB]  }
0x28: {  	s2 =	sld [smem:$0x3FAC]  }
0x29: {  	s4 =	sld [smem:$0x3FAE]  }
0x2a: {  	p0 =	seq.s32 s5, $0x0;
	s5 =	sld [smem:$0x3FAF]  }
0x2b: {  	s6 =	sld [smem:$0x3FB0]  }
0x2c: {  	s7 =	sld [smem:$0x3FB1]  }
0x2d: {  	s3 =	simm.s32 $0x108;
	s8 =	sld [smem:$0x3FB2]  }
0x2e: {  	s3 =	simm.s32 @!p0 $0x1082;
	s9 =	sld [smem:$0x3FB3]  }
0x2f: {  	lr =	sadd.s32 s0, s3;
	s0 =	sld [smem:$0x3FAA]  }
0x30: {  	s3 =	sld [smem:$0x3FAD]  }
0x31: {  	[smem:$0x3FB6] =	sst s10  }
0x32: {  	s10 =	sld [smem:$0x3FB4];
	_ =	sdelay $0x3  }
0x33: {  	p0 =	seq.s32 s10, $0x1;
	s10 =	sld [smem:$0x3FB6];
	_ =	sdelay $0x3  }
0x34: {  	[smem:$0x3FB6] =	sst s10  }
0x35: {  	s10 =	sld [smem:$0x3FB5];
	_ =	sdelay $0x3  }
0x36: {  	p1 =	seq.s32 s10, $0x1;
	s10 =	sld [smem:$0x3FB6];
	_ =	sdelay $0x3  }
0x37: {  	[smem:$0x3FB6] =	sst s10  }
0x38: {  	s10 =	sld [smem:$0x3FB7]  }
0x39: {  	_ = 	snop;
	(pc) =	sbr.ind lr, $3  }
0x3a: {  	_ = 	snop  }
0x3b: {  	_ = 	snop  }
0x3c: {  	p2 =	seq.s32 s10, $0x1;
	s10 =	sld [smem:$0x3FB6]  }
0x3d: {  	_ =	shalt  }
0x3e: {  	_ =	shalt  }
0x3f: {  	_ =	shalt  }
0x40: {  	_ =	shalt  }
0x41: {  	_ =	shalt  }
0x42: {  	_ =	shalt  }
0x43: {  	_ =	shalt  }
0x44: {  	_ =	shalt  }
0x45: {  	_ =	shalt  }
0x46: {  	_ =	shalt  }
0x47: {  	_ =	shalt  }
0x48: {  	_ =	shalt  }
0x49: {  	_ =	shalt  }
0x4a: {  	_ =	shalt  }
0x4b: {  	_ =	shalt  }
0x4c: {  	_ =	shalt  }
0x4d: {  	_ =	shalt  }
0x4e: {  	_ =	shalt  }
0x4f: {  	_ =	shalt  }
0x50: {  	_ =	shalt  }
0x51: {  	_ =	shalt  }
0x52: {  	_ =	shalt  }
0x53: {  	_ =	shalt  }
0x54: {  	_ =	shalt  }
0x55: {  	_ =	shalt  }
0x56: {  	_ =	shalt  }
0x57: {  	_ =	shalt  }
0x58: {  	_ =	shalt  }
0x59: {  	_ =	shalt  }
0x5a: {  	_ =	shalt  }
0x5b: {  	_ =	shalt  }
0x5c: {  	_ =	shalt  }
0x5d: {  	_ =	shalt  }
0x5e: {  	_ =	shalt  }
0x5f: {  	_ =	shalt  }
0x60: {  	_ =	shalt  }
0x61: {  	_ =	shalt  }
0x62: {  	_ =	shalt  }
0x63: {  	_ =	shalt  }
0x64: {  	_ =	shalt  }
0x65: {  	_ =	shalt  }
0x66: {  	_ =	shalt  }
0x67: {  	_ =	shalt  }
0x68: {  	_ =	shalt  }
0x69: {  	_ =	shalt  }
0x6a: {  	_ =	shalt  }
0x6b: {  	_ =	shalt  }
0x6c: {  	_ =	shalt  }
0x6d: {  	_ =	shalt  }
0x6e: {  	_ =	shalt  }
0x6f: {  	_ =	shalt  }
0x70: {  	_ =	shalt  }
0x71: {  	_ =	shalt  }
0x72: {  	_ =	shalt  }
0x73: {  	_ =	shalt  }
0x74: {  	_ =	shalt  }
0x75: {  	_ =	shalt  }
0x76: {  	_ =	shalt  }
0x77: {  	_ =	shalt  }
0x78: {  	_ =	shalt  }
0x79: {  	_ =	shalt  }
0x7a: {  	_ =	shalt  }
0x7b: {  	_ =	shalt  }
0x7c: {  	_ =	shalt  }
0x7d: {  	_ =	shalt  }
0x7e: {  	_ =	shalt  }
0x7f: {  	_ =	shalt  }
0x80: {  	_ =	shalt  }
0x81: {  	_ =	shalt  }
0x82: {  	_ =	shalt  }
0x83: {  	_ =	shalt  }
0x84: {  	_ =	shalt  }
0x85: {  	_ =	shalt  }
0x86: {  	_ =	shalt  }
0x87: {  	_ =	shalt  }
.Lfunc_end0:
.L_simem_size_0:
called_computation_lowered:
.L_overlay_start_0:
0x88: {  	s2 =	sld [smem:$0x3FD9]  }
0x89: {  	s3 =	sld [smem:$0x3FFE];
	_ =	sdelay $0x1  }
0x8a: {  	s1 =	srdreg.scid  }
0x8b: {  	s0 =	sand.u32 $0x1, s1  }
0x8c: {  	s16 =	sshll.u32 s0, $0xA;
	s2 =	sadd.s32 s3, s2  }
0x8d: {  	s2 =	sadd.s32 s2, s16  }
0x8e: {  	[smem:$0x3FC2] =	sst s2  }
0x8f: {  	_ = 	snop  }
0x90: {  	(tm) =	ssettm $0x1  }
0x91: {  	s17 =	sld [smem:$0x3FFB];
	_ =	sdelay $0x3  }
0x92: {  	_ =	strace s17  }
0x93: {  	s2 =	sld [smem:$0x3FFC];
	_ =	sdelay $0x3  }
0x94: {  	_ =	strace s2  }
0x95: {  	s2 =	sld [smem:$0x3FFD];
	_ =	sdelay $0x3  }
0x96: {  	_ =	strace s2  }
0x97: {  	_ =	strace $0x8FFFFFFF  }
0x98: {  	s18 =	sld [smem:$0x3FDB];
	_ =	sdelay $0x1  }
0x99: {  	s19 =	simm.s32 $_scs_section_size  }
0x9a: {  	s4 =	simm.s32 $_size__tile_overlayer_lowered;
	s5 =	simm.s32 $_tile_overlayer_lowered  }
0x9b: {  	s22 =	simm.s32 $0x1BFF;
	s21 =	sshll.u32 s5, $0x1;
	s2 =	sadd.s32 s19, s18  }
0x9c: {  	s6 =	simm.s32 $0x0;
	s20 =	sshll.u32 s4, $0x1;
	s4 =	sadd.s32 s21, s2  }
0x9d: {  	[timem:s6], [sflag:s22] =	dma.local [hbm:s4], s20  }
0x9e: {  	_ =	swait.ge [sflag:s22], s20  }
0x9f: {  	s3 =	ssub.s32 $0x0, s20;
	[sflag:s22] =	ssyncset.done $0x0  }
0xa0: {  	[sflag:s22] =	ssyncadd.s32 s3;
	_ =	sdelay $0x1  }
0xa1: {  	s23 =	simm.s32 $0x1B8B  }
0xa2: {  	_ =	swait.ge [sflag:s23], $0x1  }
0xa3: {  	[sflag:s23] =	ssyncset.done $0x0  }
0xa4: {  	s25 =	simm.s32 $0x1B8E;
	s24 =	sld [smem:$0x3FFE];
	[sflag:s23] =	ssyncadd.s32 $0xFFFFFFFF  }
0xa5: {  	s26 =	simm.s32 $execute0_lowered;
	[smem:$0x3FD2] =	sst s25  }
0xa6: {  	s4 =	sshll.u32 s26, $0x1;
	_ =	strace $0x80000046;
	[dreg:$0x1] =	wrdreg $0xFFFFFFFF  }
0xa7: {  	s28 =	simm.s32 $_size_execute0_lowered;
	s2 =	sadd.s32 s2, s4;
	[dreg:$0x0] =	wrdreg $0x0  }
0xa8: {  	s4 =	sshll.u32 s28, $0x1;
	[dreg:$0x2] =	wrdreg s2  }
0xa9: {  	[dreg:$0x3] =	wrdreg s4  }
0xaa: {  	[dreg:$0x4] =	wrdreg $0xC0  }
0xab: {  	_ =	task [dreg:s6], $0x5FFFF  }
0xac: {  	[dreg:$0x1] =	wrdreg $0xFFFFFFFF  }
0xad: {  	[dreg:$0x0] =	wrdreg $0x60  }
0xae: {  	[dreg:$0x2] =	wrdreg s24  }
0xaf: {  	[dreg:$0x3] =	wrdreg $0x57D00  }
0xb0: {  	[dreg:$0x4] =	wrdreg $0x9  }
0xb1: {  	_ =	task.clear_ibuf [dreg:s6], $0x5FFFF;
	_ =	strace $0x90000046  }
0xb2: {  	s29 =	simm.s32 $0x9;
	_ =	strace $0x80000048  }
0xb3: {  	_ =	swait.ge [sflag:s29], $0x1  }
0xb4: {  	[sflag:s29] =	ssyncadd.s32 $0xFFFFFFFF  }
0xb5: {  	_ =	strace $0x90000048  }
0xb6: {  	_ =	sfence  }
0xb7: {  	s30 =	sld [smem:$0x0];
	_ =	sdelay $0x2  }
0xb8: {  	s31 =	sshll.u32 s1, $0xD;
	s1 =	sshrl.u32 s1, $0x2  }
0xb9: {  	s3 =	sand.u32 $0x4000, s31;
	s1 =	sadd.s32 s1, s30  }
0xba: {  	s0 =	sor.u32 s3, s0;
	s1 =	sshll.u32 s1, $0x11  }
0xbb: {  	s0 =	sor.u32 s1, s0  }
0xbc: {  	s0 =	sadd.s32 $0x8F2B, s0  }
0xbd: {  	[sflag:s0] =	ssyncadd.remote.s32 $0x1  }
0xbe: {  	_ =	sfence.sel $0xFFFF  }
0xbf: {  	[dreg:$0x0] =	wrdreg $0xFFFFFFFF;
	(pc) =	sbr.abs _section_cstart, $3  }
0xc0: {  	[dreg:$0x1] =	wrdreg $0xFFFFFFFF  }
0xc1: {  	_ =	task.clear_ibuf [dreg:s6], $0x2FFFF;
	_ =	strace $0x9FFFFFFF  }
0xc2: {  	(tm) =	ssettm $0x7FFFFFFF  }
0xc3: {  	_ =	shalt  }
tec
execute0_lowered:
.L_overlay_start_1:
0x0: {  	(tag) =	ssettag $0x1  }
0x1: {  	s5 =	rddreg [dreg:$0x0]  }
0x2: {  	s0 =	srdreg.scid;
	s2 =	rddreg [dreg:$0x1]  }
0x3: {  	s3 =	simm.s32 $0x0;
	s10 =	simm.s32 $0x7D;
	s11 =	simm.s32 $0x2800  }
0x4: {  	s12 =	simm.s32 $0x10;
	s4 =	sand.u32 $0x1, s0;
	s0 =	stileid.u32  }
0x5: {  	s13 =	simm.s32 $0x80;
	[smem:$0x7FF] =	sst s3;
	s7 =	smul.u32 $0x14000, s0  }
0x6: {  	s1 =	sshll.u32 s4, $0x4;
	s8 =	sshll.u32 s4, $0x6;
	s9 =	smul.u32 $0xA000, s0  }
0x7: {  	s4 =	ssub.s32 $0x2, s4;
	s6 =	sor.u32 s0, s1;
	s1 =	rddreg [dreg:$0x2]  }
0x8: {  	_ =	strace $0x80000047;
	s31 =	sshrl.u32 s4, $0x1;
	s6 =	smul.u32 $0x500, s6  }
0x9: {  	s7 =	sor.u32 s8, s7;
	s9 =	sshrl.u32 s9, $0x2;
	s8 =	ssub.s32 s4, s31  }
0xa: {  	s7 =	sshrl.u32 s7, $0x3;
	s4 =	sadd.s32 s9, s2;
	s6 =	sadd.s32 s6, s5  }
0xb: {  	s9 =	simm.s32 $0x1;
	s7 =	sadd.s32 s7, s5;
	s5 =	sadd.s32 $0x1A00, s6  }
0xc: {  	v0 =	vimm.f32 $0.0e+00;
	v1 =	vimm.f32 $1.000000000e+00;
	s6 =	sadd.s32 $0xBA00, s7;
	s7 =	smax.u32 s8, $0x1;
	s8 =	simm.s32 $0x2FD0  }
.LBB2_1:
0xd: {  	s14 =	simm.s32 $0x40;
	s15 =	simm.s32 $0x0  }
.LBB2_2:
0xe: {  	p0 =	sne.s32 s14, $0x9FC0;
	[tilespmem:s15+$0x2FD0] =	vst v0;
	s15 =	smov.u32 s14;
	s14 =	sadd.s32 $0x40, s14  }
.Ltmp0:
0xf: {  	(pc) =	sbr.rel @p0 .LBB2_2-.Ltmp0, $2  }
0x10: {  	_ =	sdelay $0x2  }
0x11: {  	s15 =	sshra.s32 s15, $0x2  }
0x12: {  	[tilespmem:s15+$0x2FD0] =	vst v0  }
0x13: {  	[spmem:s4] =	stream.linear.scatter [tilespmem:s8], [sflag:$0x1], $0x2800, $0x38;
	[tilespmem:$0x7FD0] =	vst v63  }
0x14: {  	_ =	swait.ge [sflag:s9], $0x2800  }
0x15: {  	[sflag:s9] =	ssyncset.done $0x0  }
0x16: {  	s14 =	simm.s32 $0x40;
	s15 =	simm.s32 $0x0;
	[sflag:s9] =	ssyncadd.s32 $0xFFFFD800  }
.LBB2_4:
0x17: {  	p0 =	sne.s32 s14, $0x1F00;
	[tilespmem:s15+$0x2800] =	vst v1;
	s15 =	smov.u32 s14;
	s14 =	sadd.s32 $0x40, s14  }
.Ltmp1:
0x18: {  	(pc) =	sbr.rel @p0 .LBB2_4-.Ltmp1, $2  }
0x19: {  	_ =	sdelay $0x2  }
0x1a: {  	s15 =	sshra.s32 s15, $0x2  }
0x1b: {  	[tilespmem:s15+$0x2800] =	vst v1;
	s14 =	simm.s32 $0x0  }
0x1c: {  	[tilespmem:s14], [sflag:$0x1] =	stream.linear.gather [hbm4b:s5+s14], $0x2800, $0x38;
	[tilespmem:$0x7FD0] =	vst v63  }
0x1d: {  	_ =	swait.ge [sflag:s9], $0x2800  }
0x1e: {  	[sflag:s9] =	ssyncset.done $0x0  }
0x1f: {  	[sflag:s9] =	ssyncadd.s32 $0xFFFFD800  }
0x20: {  	s31 =	simm.s32 $0x0;
	[bflag:$0x0] =	sbarrier.arrive $0xFFFF  }
0x21: {  	[spmem:s2] =	stream.indirect.scatter.add.f32 [tilespmem:s11], [sflag:$0x1], $0x10, s31, s10, $0xb8;
	[tilespmem:$0x7FD0] =	vst v63  }
0x22: {  	_ =	swait.ge [sflag:s9], $0x7D0  }
0x23: {  	s14 =	simm.s32 $0x200;
	[sflag:s9] =	ssyncset.done $0x0  }
.LBB2_6:
0x24: {  	s15 =	sshra.s32 s14, $0x2;
	[sflag:s9] =	ssyncadd.s32 $0xFFFFF830;
	p0 =	sne.s32 s14, $0x9E00  }
0x25: {  	[spmem:s2] =	stream.indirect.scatter.add.f32 [tilespmem:s11], [sflag:$0x1], $0x10, s15, s10, $0xb8;
	[tilespmem:$0x7FD0] =	vst v63  }
.Ltmp2:
0x26: {  	_ = 	snop;
	(pc) =	sbr.rel @p0 .LBB2_6-.Ltmp2, $4  }
0x27: {  	_ = 	snop  }
0x28: {  	s14 =	sadd.s32 $0x200, s14  }
0x29: {  	_ =	swait.ge [sflag:s9], $0x7D0  }
0x2a: {  	[sflag:s9] =	ssyncset.done $0x0  }
0x2b: {  	[sflag:s9] =	ssyncadd.s32 $0xFFFFF830  }
0x2c: {  	[bflag:$0x0] =	sbarrier.arrive $0xFFFF  }
0x2d: {  	[tilespmem:s8], [sflag:$0x1] =	stream.linear.gather [spmem:s4], $0x2800, $0x38;
	[tilespmem:$0x7FD0] =	vst v63  }
0x2e: {  	s3 =	sadd.s32 $0x1, s3;
	_ =	swait.ge [sflag:s9], $0x2800  }
0x2f: {  	p0 =	sne.s32 s3, s7;
	[sflag:s9] =	ssyncset.done $0x0  }
.Ltmp3:
0x30: {  	[sflag:s9] =	ssyncadd.s32 $0xFFFFD800;
	(pc) =	sbr.rel @p0 .LBB2_1-.Ltmp3, $4  }
0x31: {  	[hbm4b:s6+s12] =	stream.strided.scatter [tilespmem:s8], [sflag:$0x1], $0x2800, s13, s12, $0x38;
	[tilespmem:$0x7FD0] =	vst v63  }
0x32: {  	_ =	swait.ge [sflag:s9], $0x2800  }
0x33: {  	[sflag:s9] =	ssyncset.done $0x0  }
0x34: {  	[sflag:s9] =	ssyncadd.s32 $0xFFFFD800  }
0x35: {  	_ =	sfence.sel $0x180000  }
0x36: {  	[bflag:$0x0] =	sbarrier.arrive $0xFFFF  }
0x37: {  	p0 =	sne.s32 s0, $0x0;
	_ =	strace $0x90000047  }
0x38: {  	s0 =	sadd.s32 @!p0 $0x100000, s1;
	[bflag:$0x2] =	sbarrier.arrive $0xFFFF  }
0x39: {  	[sflag:s0] =	ssyncadd.tile.s32 @!p0 $0x1;
	_ =	shalt  }
.Lfunc_end2:
_tile_overlayer_lowered:
.L_overlay_start_2:
0x3a: {  	(tag) =	ssettag $0x2  }
0x3b: {  	s0 =	rddreg [dreg:$0x0];
	s2 =	stileid.u32  }
0x3c: {  	s1 =	rddreg [dreg:$0x1];
	p0 =	sne.s32 s2, $0x0  }
0x3d: {  	s3 =	rddreg [dreg:$0x2];
	[bflag:$0x3] =	sbarrier.arrive $0xFFFF;
	s2 =	simm.s32 @!p0 $0x1C01  }
0x3e: {  	[timem:s3], [sflag:s2] =	dma.local @!p0 [hbm:s0], s1  }
0x3f: {  	s0 =	simm.s32 @!p0 $0x1  }
0x40: {  	_ =	swait.ge @!p0 [sflag:s0], s1  }
0x41: {  	s1 =	ssub.s32 @!p0 $0x0, s1;
	[sflag:s0] =	ssyncset.done @!p0 $0x0  }
0x42: {  	[sflag:s0] =	ssyncadd.s32 @!p0 s1  }
0x43: {  	[bflag:$0x3] =	sbarrier.arrive $0xFFFF  }
0x44: {  	_ =	shalt  }

</sc_bundles>
